<compile_context>
chip_gen: v7x
topology: tpu7x:2x2x1
jax: 0.10.2.dev20260603
libtpu: 0.0.44.dev20260713+nightly
codegen_flags: <defaults>
</compile_context>

<pallas_src>
import functools

import jax
import jax.numpy as jnp
from jax import lax
from jax.experimental import pallas as pl
from jax.experimental.pallas import tpu as pltpu
from jax.experimental.pallas import tpu_sc as plsc

B = 8
N = 4096
C = 128
G = 1024
K = 24
NW = 32


def _fps_body(xyzT_ref, idx_ref, cx_ref, cy_ref, cz_ref, dist_ref):
    xb = xyzT_ref[0]
    yb = xyzT_ref[1]
    zb = xyzT_ref[2]
    dist_ref[:] = jnp.full((B, N), 1e10, jnp.float32)
    boff = lax.broadcasted_iota(jnp.int32, (B, 1), 0) * N
    iota = lax.broadcasted_iota(jnp.int32, (B, N), 1).astype(jnp.float32)
    lane = lax.broadcasted_iota(jnp.int32, (B, 128), 1)
    zf = jnp.zeros((B, 128), jnp.float32)
    zi = jnp.zeros((B, 128), jnp.int32)

    def inner(j, carry):
        cx, cy, cz, fi, vidx, vcx, vcy, vcz = carry
        sel = lane == j
        vidx = jnp.where(sel, fi + boff, vidx)
        vcx = jnp.where(sel, cx, vcx)
        vcy = jnp.where(sel, cy, vcy)
        vcz = jnp.where(sel, cz, vcz)
        dx = xb - cx
        dy = yb - cy
        dz = zb - cz
        d = (dx * dx + dy * dy) + dz * dz
        dist = jnp.minimum(dist_ref[:], d)
        dist_ref[:] = dist
        rd, ri, rx, ry, rz = dist, iota, xb, yb, zb
        w = N // 2
        while w >= 128:
            da, db = rd[:, :w], rd[:, w:]
            ia, ib = ri[:, :w], ri[:, w:]
            ta = (da > db) | ((da == db) & (ia < ib))
            rd = jnp.where(ta, da, db)
            ri = jnp.where(ta, ia, ib)
            rx = jnp.where(ta, rx[:, :w], rx[:, w:])
            ry = jnp.where(ta, ry[:, :w], ry[:, w:])
            rz = jnp.where(ta, rz[:, :w], rz[:, w:])
            w //= 2
        m = jnp.max(rd, axis=1, keepdims=True)
        fi_f = jnp.min(jnp.where(rd == m, ri, jnp.float32(N)),
                       axis=1, keepdims=True)
        msk = ri == fi_f
        cx2 = jnp.sum(jnp.where(msk, rx, 0.0), axis=1, keepdims=True)
        cy2 = jnp.sum(jnp.where(msk, ry, 0.0), axis=1, keepdims=True)
        cz2 = jnp.sum(jnp.where(msk, rz, 0.0), axis=1, keepdims=True)
        fi2 = fi_f.astype(jnp.int32)
        return (cx2, cy2, cz2, fi2, vidx, vcx, vcy, vcz)

    def outer(o, carry):
        carry = lax.fori_loop(0, 128, inner, carry)
        off = pl.multiple_of(o * 128, 128)
        idx_ref[:, pl.ds(off, 128)] = carry[4]
        cx_ref[:, pl.ds(off, 128)] = carry[5]
        cy_ref[:, pl.ds(off, 128)] = carry[6]
        cz_ref[:, pl.ds(off, 128)] = carry[7]
        return carry

    init = (xb[:, 0:1], yb[:, 0:1], zb[:, 0:1], jnp.zeros((B, 1), jnp.int32),
            zi, zf, zf, zf)
    lax.fori_loop(0, G // 128, outer, init)


_RQ = 256


def _knn_body(xb_ref, yb_ref, zb_ref, qx_ref, qy_ref, qz_ref, idx_ref, d_ref):
    b = pl.program_id(0)
    xb = xb_ref[0]
    yb = yb_ref[0]
    zb = zb_ref[0]
    pp = (xb * xb + yb * yb) + zb * zb
    qx = qx_ref[:]
    qy = qy_ref[:]
    qz = qz_ref[:]
    qq = (qx * qx + qy * qy) + qz * qz

    def r16(v):
        return v.astype(jnp.bfloat16).astype(jnp.float32)

    qp = (r16(qx) * r16(xb) + r16(qy) * r16(yb)) + r16(qz) * r16(zb)
    d_ref[:] = (qq + pp) - 2.0 * qp
    iota = lax.broadcasted_iota(jnp.int32, (_RQ, N), 1).astype(jnp.float32)
    boff = b * N

    for t in range(K):
        d = d_ref[:]
        m = jnp.min(d, axis=1, keepdims=True)
        j = jnp.min(jnp.where(d == m, iota, jnp.float32(N)),
                    axis=1, keepdims=True)
        idx_ref[:, t:t + 1] = j.astype(jnp.int32) + boff
        d_ref[:] = jnp.where(iota == j, jnp.float32(3.0e38), d)


_CH = 256


def _sc_gather_body(x_tab, xc_t, yc_t, zc_t, fps_idx, knn_idx,
                    lc_x_out, ox_out, oy_out, oz_out, knn_x_out,
                    idx_a, rows_a, idx_b,
                    ox_v, oy_v, oz_v, rows_c, sem):
    wid = lax.axis_index("s") * 2 + lax.axis_index("c")
    na = (B * G) // NW
    base_a = wid * na
    pltpu.sync_copy(fps_idx.at[pl.ds(base_a, na)], idx_a)
    pltpu.async_copy(x_tab.at[idx_a], rows_a, sem).wait()
    pltpu.sync_copy(rows_a, lc_x_out.at[pl.ds(base_a, na)])

    nb = (B * G * K) // NW
    base_b = wid * nb
    pltpu.sync_copy(knn_idx.at[pl.ds(base_b, nb)], idx_b)

    pltpu.async_copy(xc_t.at[idx_b], ox_v, sem).wait()
    pltpu.async_copy(yc_t.at[idx_b], oy_v, sem).wait()
    pltpu.async_copy(zc_t.at[idx_b], oz_v, sem).wait()
    pltpu.sync_copy(ox_v, ox_out.at[pl.ds(base_b, nb)])
    pltpu.sync_copy(oy_v, oy_out.at[pl.ds(base_b, nb)])
    pltpu.sync_copy(oz_v, oz_out.at[pl.ds(base_b, nb)])

    def chunk_x(c, _):
        off = c * _CH
        pltpu.async_copy(x_tab.at[idx_b.at[pl.ds(off, _CH)]],
                         rows_c, sem).wait()
        pltpu.sync_copy(rows_c, knn_x_out.at[pl.ds(base_b + off, _CH)])
        return 0

    lax.fori_loop(0, nb // _CH, chunk_x, 0)


def _make_sc_gather():
    nb = (B * G * K) // NW
    na = (B * G) // NW
    mesh = plsc.VectorSubcoreMesh(core_axis_name="c", subcore_axis_name="s")
    return pl.kernel(
        _sc_gather_body,
        mesh=mesh,
        out_type=[
            jax.ShapeDtypeStruct((B * G, C), jnp.float32),
            jax.ShapeDtypeStruct((B * G * K,), jnp.float32),
            jax.ShapeDtypeStruct((B * G * K,), jnp.float32),
            jax.ShapeDtypeStruct((B * G * K,), jnp.float32),
            jax.ShapeDtypeStruct((B * G * K, C), jnp.float32),
        ],
        scratch_types=[
            pltpu.VMEM((na,), jnp.int32),
            pltpu.VMEM((na, C), jnp.float32),
            pltpu.VMEM((nb,), jnp.int32),
            pltpu.VMEM((nb,), jnp.float32),
            pltpu.VMEM((nb,), jnp.float32),
            pltpu.VMEM((nb,), jnp.float32),
            pltpu.VMEM((_CH, C), jnp.float32),
            pltpu.SemaphoreType.DMA,
        ],
    )


def kernel(xyz, x):
    xyzT = jnp.transpose(xyz, (2, 0, 1))

    fps_idx, cx, cy, cz = pl.pallas_call(
        _fps_body,
        out_shape=[
            jax.ShapeDtypeStruct((B, G), jnp.int32),
            jax.ShapeDtypeStruct((B, G), jnp.float32),
            jax.ShapeDtypeStruct((B, G), jnp.float32),
            jax.ShapeDtypeStruct((B, G), jnp.float32),
        ],
        scratch_shapes=[pltpu.VMEM((B, N), jnp.float32)],
    )(xyzT)

    lc_xyz = jnp.stack([cx, cy, cz], axis=-1)

    nsteps = (B * G) // _RQ
    qx = cx.reshape(B * G, 1)
    qy = cy.reshape(B * G, 1)
    qz = cz.reshape(B * G, 1)
    steps_per_b = G // _RQ
    xb3 = xyzT[0].reshape(B, 1, N)
    yb3 = xyzT[1].reshape(B, 1, N)
    zb3 = xyzT[2].reshape(B, 1, N)
    knn_idx = pl.pallas_call(
        _knn_body,
        grid=(B, steps_per_b),
        in_specs=[
            pl.BlockSpec((1, 1, N), lambda b, s: (b, 0, 0)),
            pl.BlockSpec((1, 1, N), lambda b, s: (b, 0, 0)),
            pl.BlockSpec((1, 1, N), lambda b, s: (b, 0, 0)),
            pl.BlockSpec((_RQ, 1), lambda b, s: (b * steps_per_b + s, 0)),
            pl.BlockSpec((_RQ, 1), lambda b, s: (b * steps_per_b + s, 0)),
            pl.BlockSpec((_RQ, 1), lambda b, s: (b * steps_per_b + s, 0)),
        ],
        out_specs=pl.BlockSpec((_RQ, K), lambda b, s: (b * steps_per_b + s, 0)),
        out_shape=jax.ShapeDtypeStruct((B * G, K), jnp.int32),
        scratch_shapes=[pltpu.VMEM((_RQ, N), jnp.float32)],
    )(xb3, yb3, zb3, qx, qy, qz)
    del nsteps

    x_tab = x.reshape(B * N, C)
    xc_t = xyzT[0].reshape(B * N)
    yc_t = xyzT[1].reshape(B * N)
    zc_t = xyzT[2].reshape(B * N)
    fps_idx_flat = fps_idx.reshape(B * G)
    knn_idx_flat = knn_idx.reshape(B * G * K)

    lc_x_flat, ox, oy, oz, knn_x_flat = _make_sc_gather()(
        x_tab, xc_t, yc_t, zc_t, fps_idx_flat, knn_idx_flat)

    lc_x = lc_x_flat.reshape(B, G, C)
    knn_xyz = jnp.stack([ox, oy, oz], axis=-1).reshape(B, G, K, 3)
    knn_x = knn_x_flat.reshape(B, G, K, C)
    return (lc_xyz, lc_x, knn_xyz, knn_x)

# --- scband reference (transcript-rebuilt; emitter-appended) ---
"""Pipeline reference for scband-enc-np-41188736369112 (READ-ONLY COPY).

The authoritative reference and input builder live on the scoring server;
editing this copy changes nothing except your own understanding.
"""

import jax, jax.numpy as jnp
import numpy as np

GROUP_NUM = 1024
K_NEIGHBORS = 24


def index_points(points, idx):
    # points: [B, N, C]; idx: [B, S] or [B, S, K] -> gathered points
    B = points.shape[0]
    batch_idx = jnp.arange(B).reshape((B,) + (1,) * (idx.ndim - 1))
    return points[batch_idx, idx]


def furthest_point_sample(xyz, npoint):
    # Faithful iterative FPS, matching pointnet2_utils.furthest_point_sample
    B, N, _ = xyz.shape

    def body(i, state):
        dist, farthest, idxs = state
        idxs = idxs.at[:, i].set(farthest)
        centroid = jnp.take_along_axis(xyz, farthest[:, None, None].astype(jnp.int32), axis=1)  # [B,1,3]
        d = jnp.sum((xyz - centroid) ** 2, axis=-1)  # [B,N]
        dist = jnp.minimum(dist, d)
        farthest = jnp.argmax(dist, axis=-1).astype(jnp.int32)
        return dist, farthest, idxs

    dist0 = jnp.full((B, N), 1e10, dtype=xyz.dtype)
    farthest0 = jnp.zeros((B,), dtype=jnp.int32)
    idxs0 = jnp.zeros((B, npoint), dtype=jnp.int32)
    _, _, idxs = jax.lax.fori_loop(0, npoint, body, (dist0, farthest0, idxs0))
    return idxs


def knn_point(k, xyz, new_xyz):
    # squared pairwise distances: [B, S, N]
    d = (
        jnp.sum(new_xyz ** 2, axis=-1, keepdims=True)
        + jnp.sum(xyz ** 2, axis=-1)[:, None, :]
        - 2.0 * jnp.einsum('bsd,bnd->bsn', new_xyz, xyz)
    )
    _, idx = jax.lax.top_k(-d, k)  # k smallest distances
    return idx


def setup_inputs(seed: int = 0) -> dict:
    key = jax.random.key(seed)
    k1, k2 = jax.random.split(key)
    xyz = jax.random.normal(k1, (8, 4096, 3), dtype=jnp.float32)
    x = jax.random.normal(k2, (8, 4096, 128), dtype=jnp.float32)
    return {"xyz": xyz, "x": x}


def reference(xyz, x):
    # FPS_kNN.forward
    fps_idx = furthest_point_sample(xyz, GROUP_NUM)  # [B, G] int32
    lc_xyz = index_points(xyz, fps_idx)              # [B, G, 3]
    lc_x = index_points(x, fps_idx)                  # [B, G, C]
    knn_idx = knn_point(K_NEIGHBORS, xyz, lc_xyz)    # [B, G, K]
    knn_xyz = index_points(xyz, knn_idx)             # [B, G, K, 3]
    knn_x = index_points(x, knn_idx)                 # [B, G, K, C]
    return (lc_xyz, lc_x, knn_xyz, knn_x)

if __name__ == "__main__":
    import jax
    _d = setup_inputs()
    print(jax.jit(kernel)(*tuple(_d.values())))

</pallas_src>

<mosaic_0001>
#map = affine_map<(d0, d1) -> (0, 0)>
#map1 = affine_map<(d0, d1) -> (0)>
module attributes {stable_mosaic.version = 14 : i64} {
  func.func @_sc_gather_body(%arg0: i32, %arg1: i32, %arg2: memref<32768x128xf32, #tpu.memory_space<hbm>>, %arg3: memref<32768xf32, #tpu.memory_space<hbm>>, %arg4: memref<32768xf32, #tpu.memory_space<hbm>>, %arg5: memref<32768xf32, #tpu.memory_space<hbm>>, %arg6: memref<8192xi32, #tpu.memory_space<hbm>>, %arg7: memref<196608xi32, #tpu.memory_space<hbm>>, %arg8: memref<8192x128xf32, #tpu.memory_space<hbm>>, %arg9: memref<196608xf32, #tpu.memory_space<hbm>>, %arg10: memref<196608xf32, #tpu.memory_space<hbm>>, %arg11: memref<196608xf32, #tpu.memory_space<hbm>>, %arg12: memref<196608x128xf32, #tpu.memory_space<hbm>>, %arg13: memref<256xi32, #tpu.memory_space<vmem>>, %arg14: memref<256x128xf32, #tpu.memory_space<vmem>>, %arg15: memref<6144xi32, #tpu.memory_space<vmem>>, %arg16: memref<6144xf32, #tpu.memory_space<vmem>>, %arg17: memref<6144xf32, #tpu.memory_space<vmem>>, %arg18: memref<6144xf32, #tpu.memory_space<vmem>>, %arg19: memref<256x128xf32, #tpu.memory_space<vmem>>, %arg20: memref<!tpu.dma_semaphore, #tpu.memory_space<semaphore_mem>>) attributes {dimension_semantics = [#tpu.dimension_semantics<core_parallel>, #tpu.dimension_semantics<subcore_parallel>], iteration_bounds = array<i64: 2, 16>, scalar_prefetch = 0 : i64, scratch_operands = 8 : i64, tpu.core_type = #tpu.core_type<sc_vector_subcore>, window_params = [{transform_indices = #map}, {transform_indices = #map1}, {transform_indices = #map1}, {transform_indices = #map1}, {transform_indices = #map1}, {transform_indices = #map1}, {transform_indices = #map}, {transform_indices = #map1}, {transform_indices = #map1}, {transform_indices = #map1}, {transform_indices = #map}]} {
    %mul3A = arith.constant 2 : i32
    %mul3A_0 = arith.muli %arg1, %mul3A : i32
    %add3A = arith.addi %mul3A_0, %arg0 : i32
    %mul3A_1 = arith.constant 256 : i32
    %mul3A_2 = arith.muli %add3A, %mul3A_1 : i32
    "tpu.region"() ({
      %run_scoped3A = tpu.sem_alloc : memref<!tpu.dma_semaphore, #tpu.memory_space<semaphore_mem>>
      %dma_start3A_27 = tpu.memref_slice %arg6[%mul3A_2] : memref<8192xi32, #tpu.memory_space<hbm>> -> memref<256xi32, #tpu.memory_space<hbm>>
      %dma_start3A_28 = tpu.memref_slice %arg6[%mul3A_2] : memref<8192xi32, #tpu.memory_space<hbm>> -> memref<256xi32, #tpu.memory_space<hbm>>
      tpu.enqueue_dma source(%dma_start3A_28 : memref<256xi32, #tpu.memory_space<hbm>>) target(%arg13 : memref<256xi32, #tpu.memory_space<vmem>>) target_semaphore(%run_scoped3A : memref<!tpu.dma_semaphore, #tpu.memory_space<semaphore_mem>>)
      %dma_wait3A_29 = tpu.memref_slice %arg6[%mul3A_2] : memref<8192xi32, #tpu.memory_space<hbm>> -> memref<256xi32, #tpu.memory_space<hbm>>
      %dma_wait3A_30 = tpu.memref_slice %arg6[%mul3A_2] : memref<8192xi32, #tpu.memory_space<hbm>> -> memref<256xi32, #tpu.memory_space<hbm>>
      tpu.wait_dma2 semaphore(%run_scoped3A : memref<!tpu.dma_semaphore, #tpu.memory_space<semaphore_mem>>) src(%dma_wait3A_30 : memref<256xi32, #tpu.memory_space<hbm>>) dst(%arg13 : memref<256xi32, #tpu.memory_space<vmem>>)
      tpu.yield
    }) : () -> ()
    %dma_start3A = arith.constant 0 : i32
    %dma_start3A_3 = arith.constant 0 : i32
    %dma_start3A_4 = tpu.memref_slice %arg2[%dma_start3A, %dma_start3A_3] : memref<32768x128xf32, #tpu.memory_space<hbm>> -> memref<32768x128xf32, #tpu.memory_space<hbm>>
    tpu.enqueue_indirect_dma source(%dma_start3A_4 : memref<32768x128xf32, #tpu.memory_space<hbm>>) target(%arg14 : memref<256x128xf32, #tpu.memory_space<vmem>>) offsets(%arg13 : memref<256xi32, #tpu.memory_space<vmem>>) semaphore(%arg20 : memref<!tpu.dma_semaphore, #tpu.memory_space<semaphore_mem>>)
    %dma_wait3A = arith.constant 0 : i32
    %dma_wait3A_5 = arith.constant 0 : i32
    %dma_wait3A_6 = tpu.memref_slice %arg2[%dma_wait3A, %dma_wait3A_5] : memref<32768x128xf32, #tpu.memory_space<hbm>> -> memref<32768x128xf32, #tpu.memory_space<hbm>>
    tpu.wait_indirect_dma semaphore(%arg20 : memref<!tpu.dma_semaphore, #tpu.memory_space<semaphore_mem>>) src(%dma_wait3A_6 : memref<32768x128xf32, #tpu.memory_space<hbm>>) dst(%arg14 : memref<256x128xf32, #tpu.memory_space<vmem>>)
    "tpu.region"() ({
      %run_scoped3A = tpu.sem_alloc : memref<!tpu.dma_semaphore, #tpu.memory_space<semaphore_mem>>
      %dma_start3A_27 = arith.constant 0 : i32
      %dma_start3A_28 = tpu.memref_slice %arg8[%mul3A_2, %dma_start3A_27] : memref<8192x128xf32, #tpu.memory_space<hbm>> -> memref<256x128xf32, #tpu.memory_space<hbm>>
      %dma_start3A_29 = arith.constant 0 : i32
      %dma_start3A_30 = tpu.memref_slice %arg8[%mul3A_2, %dma_start3A_29] : memref<8192x128xf32, #tpu.memory_space<hbm>> -> memref<256x128xf32, #tpu.memory_space<hbm>>
      tpu.enqueue_dma source(%arg14 : memref<256x128xf32, #tpu.memory_space<vmem>>) target(%dma_start3A_30 : memref<256x128xf32, #tpu.memory_space<hbm>>) target_semaphore(%run_scoped3A : memref<!tpu.dma_semaphore, #tpu.memory_space<semaphore_mem>>)
      %dma_wait3A_31 = arith.constant 0 : i32
      %dma_wait3A_32 = tpu.memref_slice %arg8[%mul3A_2, %dma_wait3A_31] : memref<8192x128xf32, #tpu.memory_space<hbm>> -> memref<256x128xf32, #tpu.memory_space<hbm>>
      %dma_wait3A_33 = arith.constant 0 : i32
      %dma_wait3A_34 = tpu.memref_slice %arg8[%mul3A_2, %dma_wait3A_33] : memref<8192x128xf32, #tpu.memory_space<hbm>> -> memref<256x128xf32, #tpu.memory_space<hbm>>
      tpu.wait_dma2 semaphore(%run_scoped3A : memref<!tpu.dma_semaphore, #tpu.memory_space<semaphore_mem>>) src(%arg14 : memref<256x128xf32, #tpu.memory_space<vmem>>) dst(%dma_wait3A_34 : memref<256x128xf32, #tpu.memory_space<hbm>>)
      tpu.yield
    }) : () -> ()
    %mul3A_7 = arith.constant 6144 : i32
    %mul3A_8 = arith.muli %add3A, %mul3A_7 : i32
    "tpu.region"() ({
      %run_scoped3A = tpu.sem_alloc : memref<!tpu.dma_semaphore, #tpu.memory_space<semaphore_mem>>
      %dma_start3A_27 = tpu.memref_slice %arg7[%mul3A_8] : memref<196608xi32, #tpu.memory_space<hbm>> -> memref<6144xi32, #tpu.memory_space<hbm>>
      %dma_start3A_28 = tpu.memref_slice %arg7[%mul3A_8] : memref<196608xi32, #tpu.memory_space<hbm>> -> memref<6144xi32, #tpu.memory_space<hbm>>
      tpu.enqueue_dma source(%dma_start3A_28 : memref<6144xi32, #tpu.memory_space<hbm>>) target(%arg15 : memref<6144xi32, #tpu.memory_space<vmem>>) target_semaphore(%run_scoped3A : memref<!tpu.dma_semaphore, #tpu.memory_space<semaphore_mem>>)
      %dma_wait3A_29 = tpu.memref_slice %arg7[%mul3A_8] : memref<196608xi32, #tpu.memory_space<hbm>> -> memref<6144xi32, #tpu.memory_space<hbm>>
      %dma_wait3A_30 = tpu.memref_slice %arg7[%mul3A_8] : memref<196608xi32, #tpu.memory_space<hbm>> -> memref<6144xi32, #tpu.memory_space<hbm>>
      tpu.wait_dma2 semaphore(%run_scoped3A : memref<!tpu.dma_semaphore, #tpu.memory_space<semaphore_mem>>) src(%dma_wait3A_30 : memref<6144xi32, #tpu.memory_space<hbm>>) dst(%arg15 : memref<6144xi32, #tpu.memory_space<vmem>>)
      tpu.yield
    }) : () -> ()
    %dma_start3A_9 = arith.constant 0 : i32
    %dma_start3A_10 = tpu.memref_slice %arg3[%dma_start3A_9] : memref<32768xf32, #tpu.memory_space<hbm>> -> memref<32768xf32, #tpu.memory_space<hbm>>
    tpu.enqueue_indirect_dma source(%dma_start3A_10 : memref<32768xf32, #tpu.memory_space<hbm>>) target(%arg16 : memref<6144xf32, #tpu.memory_space<vmem>>) offsets(%arg15 : memref<6144xi32, #tpu.memory_space<vmem>>) semaphore(%arg20 : memref<!tpu.dma_semaphore, #tpu.memory_space<semaphore_mem>>)
    %dma_wait3A_11 = arith.constant 0 : i32
    %dma_wait3A_12 = tpu.memref_slice %arg3[%dma_wait3A_11] : memref<32768xf32, #tpu.memory_space<hbm>> -> memref<32768xf32, #tpu.memory_space<hbm>>
    tpu.wait_indirect_dma semaphore(%arg20 : memref<!tpu.dma_semaphore, #tpu.memory_space<semaphore_mem>>) src(%dma_wait3A_12 : memref<32768xf32, #tpu.memory_space<hbm>>) dst(%arg16 : memref<6144xf32, #tpu.memory_space<vmem>>)
    %dma_start3A_13 = arith.constant 0 : i32
    %dma_start3A_14 = tpu.memref_slice %arg4[%dma_start3A_13] : memref<32768xf32, #tpu.memory_space<hbm>> -> memref<32768xf32, #tpu.memory_space<hbm>>
    tpu.enqueue_indirect_dma source(%dma_start3A_14 : memref<32768xf32, #tpu.memory_space<hbm>>) target(%arg17 : memref<6144xf32, #tpu.memory_space<vmem>>) offsets(%arg15 : memref<6144xi32, #tpu.memory_space<vmem>>) semaphore(%arg20 : memref<!tpu.dma_semaphore, #tpu.memory_space<semaphore_mem>>)
    %dma_wait3A_15 = arith.constant 0 : i32
    %dma_wait3A_16 = tpu.memref_slice %arg4[%dma_wait3A_15] : memref<32768xf32, #tpu.memory_space<hbm>> -> memref<32768xf32, #tpu.memory_space<hbm>>
    tpu.wait_indirect_dma semaphore(%arg20 : memref<!tpu.dma_semaphore, #tpu.memory_space<semaphore_mem>>) src(%dma_wait3A_16 : memref<32768xf32, #tpu.memory_space<hbm>>) dst(%arg17 : memref<6144xf32, #tpu.memory_space<vmem>>)
    %dma_start3A_17 = arith.constant 0 : i32
    %dma_start3A_18 = tpu.memref_slice %arg5[%dma_start3A_17] : memref<32768xf32, #tpu.memory_space<hbm>> -> memref<32768xf32, #tpu.memory_space<hbm>>
    tpu.enqueue_indirect_dma source(%dma_start3A_18 : memref<32768xf32, #tpu.memory_space<hbm>>) target(%arg18 : memref<6144xf32, #tpu.memory_space<vmem>>) offsets(%arg15 : memref<6144xi32, #tpu.memory_space<vmem>>) semaphore(%arg20 : memref<!tpu.dma_semaphore, #tpu.memory_space<semaphore_mem>>)
    %dma_wait3A_19 = arith.constant 0 : i32
    %dma_wait3A_20 = tpu.memref_slice %arg5[%dma_wait3A_19] : memref<32768xf32, #tpu.memory_space<hbm>> -> memref<32768xf32, #tpu.memory_space<hbm>>
    tpu.wait_indirect_dma semaphore(%arg20 : memref<!tpu.dma_semaphore, #tpu.memory_space<semaphore_mem>>) src(%dma_wait3A_20 : memref<32768xf32, #tpu.memory_space<hbm>>) dst(%arg18 : memref<6144xf32, #tpu.memory_space<vmem>>)
    "tpu.region"() ({
      %run_scoped3A = tpu.sem_alloc : memref<!tpu.dma_semaphore, #tpu.memory_space<semaphore_mem>>
      %dma_start3A_27 = tpu.memref_slice %arg9[%mul3A_8] : memref<196608xf32, #tpu.memory_space<hbm>> -> memref<6144xf32, #tpu.memory_space<hbm>>
      %dma_start3A_28 = tpu.memref_slice %arg9[%mul3A_8] : memref<196608xf32, #tpu.memory_space<hbm>> -> memref<6144xf32, #tpu.memory_space<hbm>>
      tpu.enqueue_dma source(%arg16 : memref<6144xf32, #tpu.memory_space<vmem>>) target(%dma_start3A_28 : memref<6144xf32, #tpu.memory_space<hbm>>) target_semaphore(%run_scoped3A : memref<!tpu.dma_semaphore, #tpu.memory_space<semaphore_mem>>)
      %dma_wait3A_29 = tpu.memref_slice %arg9[%mul3A_8] : memref<196608xf32, #tpu.memory_space<hbm>> -> memref<6144xf32, #tpu.memory_space<hbm>>
      %dma_wait3A_30 = tpu.memref_slice %arg9[%mul3A_8] : memref<196608xf32, #tpu.memory_space<hbm>> -> memref<6144xf32, #tpu.memory_space<hbm>>
      tpu.wait_dma2 semaphore(%run_scoped3A : memref<!tpu.dma_semaphore, #tpu.memory_space<semaphore_mem>>) src(%arg16 : memref<6144xf32, #tpu.memory_space<vmem>>) dst(%dma_wait3A_30 : memref<6144xf32, #tpu.memory_space<hbm>>)
      tpu.yield
    }) : () -> ()
    "tpu.region"() ({
      %run_scoped3A = tpu.sem_alloc : memref<!tpu.dma_semaphore, #tpu.memory_space<semaphore_mem>>
      %dma_start3A_27 = tpu.memref_slice %arg10[%mul3A_8] : memref<196608xf32, #tpu.memory_space<hbm>> -> memref<6144xf32, #tpu.memory_space<hbm>>
      %dma_start3A_28 = tpu.memref_slice %arg10[%mul3A_8] : memref<196608xf32, #tpu.memory_space<hbm>> -> memref<6144xf32, #tpu.memory_space<hbm>>
      tpu.enqueue_dma source(%arg17 : memref<6144xf32, #tpu.memory_space<vmem>>) target(%dma_start3A_28 : memref<6144xf32, #tpu.memory_space<hbm>>) target_semaphore(%run_scoped3A : memref<!tpu.dma_semaphore, #tpu.memory_space<semaphore_mem>>)
      %dma_wait3A_29 = tpu.memref_slice %arg10[%mul3A_8] : memref<196608xf32, #tpu.memory_space<hbm>> -> memref<6144xf32, #tpu.memory_space<hbm>>
      %dma_wait3A_30 = tpu.memref_slice %arg10[%mul3A_8] : memref<196608xf32, #tpu.memory_space<hbm>> -> memref<6144xf32, #tpu.memory_space<hbm>>
      tpu.wait_dma2 semaphore(%run_scoped3A : memref<!tpu.dma_semaphore, #tpu.memory_space<semaphore_mem>>) src(%arg17 : memref<6144xf32, #tpu.memory_space<vmem>>) dst(%dma_wait3A_30 : memref<6144xf32, #tpu.memory_space<hbm>>)
      tpu.yield
    }) : () -> ()
    "tpu.region"() ({
      %run_scoped3A = tpu.sem_alloc : memref<!tpu.dma_semaphore, #tpu.memory_space<semaphore_mem>>
      %dma_start3A_27 = tpu.memref_slice %arg11[%mul3A_8] : memref<196608xf32, #tpu.memory_space<hbm>> -> memref<6144xf32, #tpu.memory_space<hbm>>
      %dma_start3A_28 = tpu.memref_slice %arg11[%mul3A_8] : memref<196608xf32, #tpu.memory_space<hbm>> -> memref<6144xf32, #tpu.memory_space<hbm>>
      tpu.enqueue_dma source(%arg18 : memref<6144xf32, #tpu.memory_space<vmem>>) target(%dma_start3A_28 : memref<6144xf32, #tpu.memory_space<hbm>>) target_semaphore(%run_scoped3A : memref<!tpu.dma_semaphore, #tpu.memory_space<semaphore_mem>>)
      %dma_wait3A_29 = tpu.memref_slice %arg11[%mul3A_8] : memref<196608xf32, #tpu.memory_space<hbm>> -> memref<6144xf32, #tpu.memory_space<hbm>>
      %dma_wait3A_30 = tpu.memref_slice %arg11[%mul3A_8] : memref<196608xf32, #tpu.memory_space<hbm>> -> memref<6144xf32, #tpu.memory_space<hbm>>
      tpu.wait_dma2 semaphore(%run_scoped3A : memref<!tpu.dma_semaphore, #tpu.memory_space<semaphore_mem>>) src(%arg18 : memref<6144xf32, #tpu.memory_space<vmem>>) dst(%dma_wait3A_30 : memref<6144xf32, #tpu.memory_space<hbm>>)
      tpu.yield
    }) : () -> ()
    %scan3A = arith.constant 0 : i32
    %scan3A_21 = arith.constant 0 : i32
    %scan3A_22 = arith.constant 24 : i32
    %scan3A_23 = arith.addi %scan3A_21, %scan3A_22 : i32
    %scan3A_24 = arith.constant 1 : i32
    %scan3A_25 = scf.for %scan3A_27 = %scan3A_21 to %scan3A_23 step %scan3A_24 iter_args(%scan3A_28 = %scan3A) -> (i32)  : i32 {
      %mul3A_29 = arith.constant 256 : i32
      %mul3A_30 = arith.muli %scan3A_27, %mul3A_29 : i32
      %dma_start3A_31 = tpu.memref_slice %arg15[%mul3A_30] : memref<6144xi32, #tpu.memory_space<vmem>> -> memref<256xi32, #tpu.memory_space<vmem>>
      %dma_start3A_32 = arith.constant 0 : i32
      %dma_start3A_33 = arith.constant 0 : i32
      %dma_start3A_34 = tpu.memref_slice %arg2[%dma_start3A_32, %dma_start3A_33] : memref<32768x128xf32, #tpu.memory_space<hbm>> -> memref<32768x128xf32, #tpu.memory_space<hbm>>
      tpu.enqueue_indirect_dma source(%dma_start3A_34 : memref<32768x128xf32, #tpu.memory_space<hbm>>) target(%arg19 : memref<256x128xf32, #tpu.memory_space<vmem>>) offsets(%dma_start3A_31 : memref<256xi32, #tpu.memory_space<vmem>>) semaphore(%arg20 : memref<!tpu.dma_semaphore, #tpu.memory_space<semaphore_mem>>)
      %dma_wait3A_35 = tpu.memref_slice %arg15[%mul3A_30] : memref<6144xi32, #tpu.memory_space<vmem>> -> memref<256xi32, #tpu.memory_space<vmem>>
      %dma_wait3A_36 = arith.constant 0 : i32
      %dma_wait3A_37 = arith.constant 0 : i32
      %dma_wait3A_38 = tpu.memref_slice %arg2[%dma_wait3A_36, %dma_wait3A_37] : memref<32768x128xf32, #tpu.memory_space<hbm>> -> memref<32768x128xf32, #tpu.memory_space<hbm>>
      tpu.wait_indirect_dma semaphore(%arg20 : memref<!tpu.dma_semaphore, #tpu.memory_space<semaphore_mem>>) src(%dma_wait3A_38 : memref<32768x128xf32, #tpu.memory_space<hbm>>) dst(%arg19 : memref<256x128xf32, #tpu.memory_space<vmem>>)
      %add3A_39 = arith.addi %mul3A_8, %mul3A_30 : i32
      "tpu.region"() ({
        %run_scoped3A = tpu.sem_alloc : memref<!tpu.dma_semaphore, #tpu.memory_space<semaphore_mem>>
        %dma_start3A_41 = arith.constant 0 : i32
        %dma_start3A_42 = tpu.memref_slice %arg12[%add3A_39, %dma_start3A_41] : memref<196608x128xf32, #tpu.memory_space<hbm>> -> memref<256x128xf32, #tpu.memory_space<hbm>>
        %dma_start3A_43 = arith.constant 0 : i32
        %dma_start3A_44 = tpu.memref_slice %arg12[%add3A_39, %dma_start3A_43] : memref<196608x128xf32, #tpu.memory_space<hbm>> -> memref<256x128xf32, #tpu.memory_space<hbm>>
        tpu.enqueue_dma source(%arg19 : memref<256x128xf32, #tpu.memory_space<vmem>>) target(%dma_start3A_44 : memref<256x128xf32, #tpu.memory_space<hbm>>) target_semaphore(%run_scoped3A : memref<!tpu.dma_semaphore, #tpu.memory_space<semaphore_mem>>)
        %dma_wait3A_45 = arith.constant 0 : i32
        %dma_wait3A_46 = tpu.memref_slice %arg12[%add3A_39, %dma_wait3A_45] : memref<196608x128xf32, #tpu.memory_space<hbm>> -> memref<256x128xf32, #tpu.memory_space<hbm>>
        %dma_wait3A_47 = arith.constant 0 : i32
        %dma_wait3A_48 = tpu.memref_slice %arg12[%add3A_39, %dma_wait3A_47] : memref<196608x128xf32, #tpu.memory_space<hbm>> -> memref<256x128xf32, #tpu.memory_space<hbm>>
        tpu.wait_dma2 semaphore(%run_scoped3A : memref<!tpu.dma_semaphore, #tpu.memory_space<semaphore_mem>>) src(%arg19 : memref<256x128xf32, #tpu.memory_space<vmem>>) dst(%dma_wait3A_48 : memref<256x128xf32, #tpu.memory_space<hbm>>)
        tpu.yield
      }) : () -> ()
      %scan3A_40 = arith.constant 0 : i32
      scf.yield %scan3A_40 : i32
    }
    %scan3A_26 = arith.constant 24 : i32
    return
  }
}

module attributes {stable_mosaic.version = 14 : i64} {
  func.func @_fps_body(%arg0: memref<3x8x4096xf32, #tpu.memory_space<vmem>>, %arg1: memref<8x1024xi32, #tpu.memory_space<vmem>>, %arg2: memref<8x1024xf32, #tpu.memory_space<vmem>>, %arg3: memref<8x1024xf32, #tpu.memory_space<vmem>>, %arg4: memref<8x1024xf32, #tpu.memory_space<vmem>>, %arg5: memref<8x4096xf32, #tpu.memory_space<vmem>>) attributes {dimension_semantics = [], scalar_prefetch = 0 : i64, scratch_operands = 1 : i64, tpu.core_type = #tpu.core_type<tc>} {
    %get3A = arith.constant 0 : index
    %get3A_0 = arith.constant 0 : index
    %get3A_1 = arith.constant 0 : index
    %get3A_2 = vector.load %arg0[%get3A, %get3A_0, %get3A_1] : memref<3x8x4096xf32, #tpu.memory_space<vmem>>, vector<1x8x4096xf32>
    %get3A_3 = vector.shape_cast %get3A_2 : vector<1x8x4096xf32> to vector<8x4096xf32>
    %get3A_4 = arith.constant 1 : index
    %get3A_5 = arith.constant 0 : index
    %get3A_6 = arith.constant 0 : index
    %get3A_7 = vector.load %arg0[%get3A_4, %get3A_5, %get3A_6] : memref<3x8x4096xf32, #tpu.memory_space<vmem>>, vector<1x8x4096xf32>
    %get3A_8 = vector.shape_cast %get3A_7 : vector<1x8x4096xf32> to vector<8x4096xf32>
    %get3A_9 = arith.constant 2 : index
    %get3A_10 = arith.constant 0 : index
    %get3A_11 = arith.constant 0 : index
    %get3A_12 = vector.load %arg0[%get3A_9, %get3A_10, %get3A_11] : memref<3x8x4096xf32, #tpu.memory_space<vmem>>, vector<1x8x4096xf32>
    %get3A_13 = vector.shape_cast %get3A_12 : vector<1x8x4096xf32> to vector<8x4096xf32>
    %broadcast_in_dim3A = arith.constant 1.000000e+10 : f32
    %broadcast_in_dim3A_14 = vector.broadcast %broadcast_in_dim3A : f32 to vector<8x4096xf32>
    %swap3A = arith.constant 0 : index
    %swap3A_15 = arith.constant 0 : index
    %swap3A_16 = vector.load %arg5[%swap3A, %swap3A_15] : memref<8x4096xf32, #tpu.memory_space<vmem>>, vector<8x4096xf32>
    tpu.vector_store %arg5[%swap3A, %swap3A_15], %broadcast_in_dim3A_14 {strides = array<i32>} : memref<8x4096xf32, #tpu.memory_space<vmem>>, vector<8x4096xf32>,
    %iota3A = tpu.iota {dimensions = array<i32: 0>} : vector<8x1xi32>
    %mul3A = arith.constant 4096 : i32
    %mul3A_17 = vector.broadcast %mul3A : i32 to vector<8x1xi32>
    %mul3A_18 = arith.muli %iota3A, %mul3A_17 : vector<8x1xi32>
    %iota3A_19 = tpu.iota {dimensions = array<i32: 1>} : vector<8x4096xi32>
    %convert_element_type3A = arith.sitofp %iota3A_19 : vector<8x4096xi32> to vector<8x4096xf32>
    %iota3A_20 = tpu.iota {dimensions = array<i32: 1>} : vector<8x128xi32>
    %broadcast_in_dim3A_21 = arith.constant 0.000000e+00 : f32
    %broadcast_in_dim3A_22 = vector.broadcast %broadcast_in_dim3A_21 : f32 to vector<8x128xf32>
    %broadcast_in_dim3A_23 = arith.constant 0 : i32
    %broadcast_in_dim3A_24 = vector.broadcast %broadcast_in_dim3A_23 : i32 to vector<8x128xi32>
    %slice3A = vector.extract_strided_slice %get3A_3 {offsets = [0, 0], sizes = [8, 1], strides = [1, 1]} : vector<8x4096xf32> to vector<8x1xf32>
    %slice3A_25 = vector.extract_strided_slice %get3A_8 {offsets = [0, 0], sizes = [8, 1], strides = [1, 1]} : vector<8x4096xf32> to vector<8x1xf32>
    %slice3A_26 = vector.extract_strided_slice %get3A_13 {offsets = [0, 0], sizes = [8, 1], strides = [1, 1]} : vector<8x4096xf32> to vector<8x1xf32>
    %broadcast_in_dim3A_27 = arith.constant 0 : i32
    %broadcast_in_dim3A_28 = vector.broadcast %broadcast_in_dim3A_27 : i32 to vector<8x1xi32>
    %scan3A = arith.constant 0 : i32
    %scan3A_29 = arith.constant 8 : i32
    %scan3A_30 = arith.addi %scan3A, %scan3A_29 : i32
    %scan3A_31 = arith.constant 1 : i32
    %scan3A_32:8 = scf.for %scan3A_34 = %scan3A to %scan3A_30 step %scan3A_31 iter_args(%scan3A_35 = %slice3A, %scan3A_36 = %slice3A_25, %scan3A_37 = %slice3A_26, %scan3A_38 = %broadcast_in_dim3A_28, %scan3A_39 = %broadcast_in_dim3A_24, %scan3A_40 = %broadcast_in_dim3A_22, %scan3A_41 = %broadcast_in_dim3A_22, %scan3A_42 = %broadcast_in_dim3A_22) -> (vector<8x1xf32>, vector<8x1xf32>, vector<8x1xf32>, vector<8x1xi32>, vector<8x128xi32>, vector<8x128xf32>, vector<8x128xf32>, vector<8x128xf32>)  : i32 {
      %scan3A_43 = arith.constant 0 : i32
      %scan3A_44 = arith.constant 128 : i32
      %scan3A_45 = arith.addi %scan3A_43, %scan3A_44 : i32
      %scan3A_46 = arith.constant 1 : i32
      %scan3A_47:8 = scf.for %scan3A_63 = %scan3A_43 to %scan3A_45 step %scan3A_46 iter_args(%scan3A_64 = %scan3A_35, %scan3A_65 = %scan3A_36, %scan3A_66 = %scan3A_37, %scan3A_67 = %scan3A_38, %scan3A_68 = %scan3A_39, %scan3A_69 = %scan3A_40, %scan3A_70 = %scan3A_41, %scan3A_71 = %scan3A_42) -> (vector<8x1xf32>, vector<8x1xf32>, vector<8x1xf32>, vector<8x1xi32>, vector<8x128xi32>, vector<8x128xf32>, vector<8x128xf32>, vector<8x128xf32>)  : i32 {
        %eq3A = vector.broadcast %scan3A_63 : i32 to vector<8x128xi32>
        %eq3A_72 = arith.cmpi eq, %iota3A_20, %eq3A : vector<8x128xi32>
        %add3A = arith.addi %scan3A_67, %mul3A_18 : vector<8x1xi32>
        %broadcast_in_dim3A_73 = vector.shape_cast %add3A : vector<8x1xi32> to vector<8x1xi32>
        %broadcast_in_dim3A_74 = vector.broadcast %broadcast_in_dim3A_73 : vector<8x1xi32> to vector<8x128xi32>
        %select_n3A = arith.select %eq3A_72, %broadcast_in_dim3A_74, %scan3A_68 : vector<8x128xi1>, vector<8x128xi32>
        %broadcast_in_dim3A_75 = vector.shape_cast %scan3A_64 : vector<8x1xf32> to vector<8x1xf32>
        %broadcast_in_dim3A_76 = vector.broadcast %broadcast_in_dim3A_75 : vector<8x1xf32> to vector<8x128xf32>
        %select_n3A_77 = arith.select %eq3A_72, %broadcast_in_dim3A_76, %scan3A_69 : vector<8x128xi1>, vector<8x128xf32>
        %broadcast_in_dim3A_78 = vector.shape_cast %scan3A_65 : vector<8x1xf32> to vector<8x1xf32>
        %broadcast_in_dim3A_79 = vector.broadcast %broadcast_in_dim3A_78 : vector<8x1xf32> to vector<8x128xf32>
        %select_n3A_80 = arith.select %eq3A_72, %broadcast_in_dim3A_79, %scan3A_70 : vector<8x128xi1>, vector<8x128xf32>
        %broadcast_in_dim3A_81 = vector.shape_cast %scan3A_66 : vector<8x1xf32> to vector<8x1xf32>
        %broadcast_in_dim3A_82 = vector.broadcast %broadcast_in_dim3A_81 : vector<8x1xf32> to vector<8x128xf32>
        %select_n3A_83 = arith.select %eq3A_72, %broadcast_in_dim3A_82, %scan3A_71 : vector<8x128xi1>, vector<8x128xf32>
        %sub3A = vector.broadcast %scan3A_64 : vector<8x1xf32> to vector<8x4096xf32>
        %sub3A_84 = arith.subf %get3A_3, %sub3A : vector<8x4096xf32>
        %sub3A_85 = vector.broadcast %scan3A_65 : vector<8x1xf32> to vector<8x4096xf32>
        %sub3A_86 = arith.subf %get3A_8, %sub3A_85 : vector<8x4096xf32>
        %sub3A_87 = vector.broadcast %scan3A_66 : vector<8x1xf32> to vector<8x4096xf32>
        %sub3A_88 = arith.subf %get3A_13, %sub3A_87 : vector<8x4096xf32>
        %mul3A_89 = arith.mulf %sub3A_84, %sub3A_84 : vector<8x4096xf32>
        %mul3A_90 = arith.mulf %sub3A_86, %sub3A_86 : vector<8x4096xf32>
        %add3A_91 = arith.addf %mul3A_89, %mul3A_90 : vector<8x4096xf32>
        %mul3A_92 = arith.mulf %sub3A_88, %sub3A_88 : vector<8x4096xf32>
        %add3A_93 = arith.addf %add3A_91, %mul3A_92 : vector<8x4096xf32>
        %get3A_94 = arith.constant 0 : index
        %get3A_95 = arith.constant 0 : index
        %get3A_96 = vector.load %arg5[%get3A_94, %get3A_95] : memref<8x4096xf32, #tpu.memory_space<vmem>>, vector<8x4096xf32>
        %min3A = arith.minimumf %get3A_96, %add3A_93 : vector<8x4096xf32>
        %swap3A_97 = arith.constant 0 : index
        %swap3A_98 = arith.constant 0 : index
        %swap3A_99 = vector.load %arg5[%swap3A_97, %swap3A_98] : memref<8x4096xf32, #tpu.memory_space<vmem>>, vector<8x4096xf32>
        tpu.vector_store %arg5[%swap3A_97, %swap3A_98], %min3A {strides = array<i32>} : memref<8x4096xf32, #tpu.memory_space<vmem>>, vector<8x4096xf32>,
        %slice3A_100 = vector.extract_strided_slice %min3A {offsets = [0, 0], sizes = [8, 2048], strides = [1, 1]} : vector<8x4096xf32> to vector<8x2048xf32>
        %slice3A_101 = vector.extract_strided_slice %min3A {offsets = [0, 2048], sizes = [8, 2048], strides = [1, 1]} : vector<8x4096xf32> to vector<8x2048xf32>
        %slice3A_102 = vector.extract_strided_slice %convert_element_type3A {offsets = [0, 0], sizes = [8, 2048], strides = [1, 1]} : vector<8x4096xf32> to vector<8x2048xf32>
        %slice3A_103 = vector.extract_strided_slice %convert_element_type3A {offsets = [0, 2048], sizes = [8, 2048], strides = [1, 1]} : vector<8x4096xf32> to vector<8x2048xf32>
        %gt3A = arith.cmpf ogt, %slice3A_100, %slice3A_101 : vector<8x2048xf32>
        %eq3A_104 = arith.cmpf oeq, %slice3A_100, %slice3A_101 : vector<8x2048xf32>
        %lt3A = arith.cmpf olt, %slice3A_102, %slice3A_103 : vector<8x2048xf32>
        %and3A = arith.andi %eq3A_104, %lt3A : vector<8x2048xi1>
        %or3A = arith.ori %gt3A, %and3A : vector<8x2048xi1>
        %select_n3A_105 = arith.select %or3A, %slice3A_100, %slice3A_101 : vector<8x2048xi1>, vector<8x2048xf32>
        %select_n3A_106 = arith.select %or3A, %slice3A_102, %slice3A_103 : vector<8x2048xi1>, vector<8x2048xf32>
        %slice3A_107 = vector.extract_strided_slice %get3A_3 {offsets = [0, 0], sizes = [8, 2048], strides = [1, 1]} : vector<8x4096xf32> to vector<8x2048xf32>
        %slice3A_108 = vector.extract_strided_slice %get3A_3 {offsets = [0, 2048], sizes = [8, 2048], strides = [1, 1]} : vector<8x4096xf32> to vector<8x2048xf32>
        %select_n3A_109 = arith.select %or3A, %slice3A_107, %slice3A_108 : vector<8x2048xi1>, vector<8x2048xf32>
        %slice3A_110 = vector.extract_strided_slice %get3A_8 {offsets = [0, 0], sizes = [8, 2048], strides = [1, 1]} : vector<8x4096xf32> to vector<8x2048xf32>
        %slice3A_111 = vector.extract_strided_slice %get3A_8 {offsets = [0, 2048], sizes = [8, 2048], strides = [1, 1]} : vector<8x4096xf32> to vector<8x2048xf32>
        %select_n3A_112 = arith.select %or3A, %slice3A_110, %slice3A_111 : vector<8x2048xi1>, vector<8x2048xf32>
        %slice3A_113 = vector.extract_strided_slice %get3A_13 {offsets = [0, 0], sizes = [8, 2048], strides = [1, 1]} : vector<8x4096xf32> to vector<8x2048xf32>
        %slice3A_114 = vector.extract_strided_slice %get3A_13 {offsets = [0, 2048], sizes = [8, 2048], strides = [1, 1]} : vector<8x4096xf32> to vector<8x2048xf32>
        %select_n3A_115 = arith.select %or3A, %slice3A_113, %slice3A_114 : vector<8x2048xi1>, vector<8x2048xf32>
        %slice3A_116 = vector.extract_strided_slice %select_n3A_105 {offsets = [0, 0], sizes = [8, 1024], strides = [1, 1]} : vector<8x2048xf32> to vector<8x1024xf32>
        %slice3A_117 = vector.extract_strided_slice %select_n3A_105 {offsets = [0, 1024], sizes = [8, 1024], strides = [1, 1]} : vector<8x2048xf32> to vector<8x1024xf32>
        %slice3A_118 = vector.extract_strided_slice %select_n3A_106 {offsets = [0, 0], sizes = [8, 1024], strides = [1, 1]} : vector<8x2048xf32> to vector<8x1024xf32>
        %slice3A_119 = vector.extract_strided_slice %select_n3A_106 {offsets = [0, 1024], sizes = [8, 1024], strides = [1, 1]} : vector<8x2048xf32> to vector<8x1024xf32>
        %gt3A_120 = arith.cmpf ogt, %slice3A_116, %slice3A_117 : vector<8x1024xf32>
        %eq3A_121 = arith.cmpf oeq, %slice3A_116, %slice3A_117 : vector<8x1024xf32>
        %lt3A_122 = arith.cmpf olt, %slice3A_118, %slice3A_119 : vector<8x1024xf32>
        %and3A_123 = arith.andi %eq3A_121, %lt3A_122 : vector<8x1024xi1>
        %or3A_124 = arith.ori %gt3A_120, %and3A_123 : vector<8x1024xi1>
        %select_n3A_125 = arith.select %or3A_124, %slice3A_116, %slice3A_117 : vector<8x1024xi1>, vector<8x1024xf32>
        %select_n3A_126 = arith.select %or3A_124, %slice3A_118, %slice3A_119 : vector<8x1024xi1>, vector<8x1024xf32>
        %slice3A_127 = vector.extract_strided_slice %select_n3A_109 {offsets = [0, 0], sizes = [8, 1024], strides = [1, 1]} : vector<8x2048xf32> to vector<8x1024xf32>
        %slice3A_128 = vector.extract_strided_slice %select_n3A_109 {offsets = [0, 1024], sizes = [8, 1024], strides = [1, 1]} : vector<8x2048xf32> to vector<8x1024xf32>
        %select_n3A_129 = arith.select %or3A_124, %slice3A_127, %slice3A_128 : vector<8x1024xi1>, vector<8x1024xf32>
        %slice3A_130 = vector.extract_strided_slice %select_n3A_112 {offsets = [0, 0], sizes = [8, 1024], strides = [1, 1]} : vector<8x2048xf32> to vector<8x1024xf32>
        %slice3A_131 = vector.extract_strided_slice %select_n3A_112 {offsets = [0, 1024], sizes = [8, 1024], strides = [1, 1]} : vector<8x2048xf32> to vector<8x1024xf32>
        %select_n3A_132 = arith.select %or3A_124, %slice3A_130, %slice3A_131 : vector<8x1024xi1>, vector<8x1024xf32>
        %slice3A_133 = vector.extract_strided_slice %select_n3A_115 {offsets = [0, 0], sizes = [8, 1024], strides = [1, 1]} : vector<8x2048xf32> to vector<8x1024xf32>
        %slice3A_134 = vector.extract_strided_slice %select_n3A_115 {offsets = [0, 1024], sizes = [8, 1024], strides = [1, 1]} : vector<8x2048xf32> to vector<8x1024xf32>
        %select_n3A_135 = arith.select %or3A_124, %slice3A_133, %slice3A_134 : vector<8x1024xi1>, vector<8x1024xf32>
        %slice3A_136 = vector.extract_strided_slice %select_n3A_125 {offsets = [0, 0], sizes = [8, 512], strides = [1, 1]} : vector<8x1024xf32> to vector<8x512xf32>
        %slice3A_137 = vector.extract_strided_slice %select_n3A_125 {offsets = [0, 512], sizes = [8, 512], strides = [1, 1]} : vector<8x1024xf32> to vector<8x512xf32>
        %slice3A_138 = vector.extract_strided_slice %select_n3A_126 {offsets = [0, 0], sizes = [8, 512], strides = [1, 1]} : vector<8x1024xf32> to vector<8x512xf32>
        %slice3A_139 = vector.extract_strided_slice %select_n3A_126 {offsets = [0, 512], sizes = [8, 512], strides = [1, 1]} : vector<8x1024xf32> to vector<8x512xf32>
        %gt3A_140 = arith.cmpf ogt, %slice3A_136, %slice3A_137 : vector<8x512xf32>
        %eq3A_141 = arith.cmpf oeq, %slice3A_136, %slice3A_137 : vector<8x512xf32>
        %lt3A_142 = arith.cmpf olt, %slice3A_138, %slice3A_139 : vector<8x512xf32>
        %and3A_143 = arith.andi %eq3A_141, %lt3A_142 : vector<8x512xi1>
        %or3A_144 = arith.ori %gt3A_140, %and3A_143 : vector<8x512xi1>
        %select_n3A_145 = arith.select %or3A_144, %slice3A_136, %slice3A_137 : vector<8x512xi1>, vector<8x512xf32>
        %select_n3A_146 = arith.select %or3A_144, %slice3A_138, %slice3A_139 : vector<8x512xi1>, vector<8x512xf32>
        %slice3A_147 = vector.extract_strided_slice %select_n3A_129 {offsets = [0, 0], sizes = [8, 512], strides = [1, 1]} : vector<8x1024xf32> to vector<8x512xf32>
        %slice3A_148 = vector.extract_strided_slice %select_n3A_129 {offsets = [0, 512], sizes = [8, 512], strides = [1, 1]} : vector<8x1024xf32> to vector<8x512xf32>
        %select_n3A_149 = arith.select %or3A_144, %slice3A_147, %slice3A_148 : vector<8x512xi1>, vector<8x512xf32>
        %slice3A_150 = vector.extract_strided_slice %select_n3A_132 {offsets = [0, 0], sizes = [8, 512], strides = [1, 1]} : vector<8x1024xf32> to vector<8x512xf32>
        %slice3A_151 = vector.extract_strided_slice %select_n3A_132 {offsets = [0, 512], sizes = [8, 512], strides = [1, 1]} : vector<8x1024xf32> to vector<8x512xf32>
        %select_n3A_152 = arith.select %or3A_144, %slice3A_150, %slice3A_151 : vector<8x512xi1>, vector<8x512xf32>
        %slice3A_153 = vector.extract_strided_slice %select_n3A_135 {offsets = [0, 0], sizes = [8, 512], strides = [1, 1]} : vector<8x1024xf32> to vector<8x512xf32>
        %slice3A_154 = vector.extract_strided_slice %select_n3A_135 {offsets = [0, 512], sizes = [8, 512], strides = [1, 1]} : vector<8x1024xf32> to vector<8x512xf32>
        %select_n3A_155 = arith.select %or3A_144, %slice3A_153, %slice3A_154 : vector<8x512xi1>, vector<8x512xf32>
        %slice3A_156 = vector.extract_strided_slice %select_n3A_145 {offsets = [0, 0], sizes = [8, 256], strides = [1, 1]} : vector<8x512xf32> to vector<8x256xf32>
        %slice3A_157 = vector.extract_strided_slice %select_n3A_145 {offsets = [0, 256], sizes = [8, 256], strides = [1, 1]} : vector<8x512xf32> to vector<8x256xf32>
        %slice3A_158 = vector.extract_strided_slice %select_n3A_146 {offsets = [0, 0], sizes = [8, 256], strides = [1, 1]} : vector<8x512xf32> to vector<8x256xf32>
        %slice3A_159 = vector.extract_strided_slice %select_n3A_146 {offsets = [0, 256], sizes = [8, 256], strides = [1, 1]} : vector<8x512xf32> to vector<8x256xf32>
        %gt3A_160 = arith.cmpf ogt, %slice3A_156, %slice3A_157 : vector<8x256xf32>
        %eq3A_161 = arith.cmpf oeq, %slice3A_156, %slice3A_157 : vector<8x256xf32>
        %lt3A_162 = arith.cmpf olt, %slice3A_158, %slice3A_159 : vector<8x256xf32>
        %and3A_163 = arith.andi %eq3A_161, %lt3A_162 : vector<8x256xi1>
        %or3A_164 = arith.ori %gt3A_160, %and3A_163 : vector<8x256xi1>
        %select_n3A_165 = arith.select %or3A_164, %slice3A_156, %slice3A_157 : vector<8x256xi1>, vector<8x256xf32>
        %select_n3A_166 = arith.select %or3A_164, %slice3A_158, %slice3A_159 : vector<8x256xi1>, vector<8x256xf32>
        %slice3A_167 = vector.extract_strided_slice %select_n3A_149 {offsets = [0, 0], sizes = [8, 256], strides = [1, 1]} : vector<8x512xf32> to vector<8x256xf32>
        %slice3A_168 = vector.extract_strided_slice %select_n3A_149 {offsets = [0, 256], sizes = [8, 256], strides = [1, 1]} : vector<8x512xf32> to vector<8x256xf32>
        %select_n3A_169 = arith.select %or3A_164, %slice3A_167, %slice3A_168 : vector<8x256xi1>, vector<8x256xf32>
        %slice3A_170 = vector.extract_strided_slice %select_n3A_152 {offsets = [0, 0], sizes = [8, 256], strides = [1, 1]} : vector<8x512xf32> to vector<8x256xf32>
        %slice3A_171 = vector.extract_strided_slice %select_n3A_152 {offsets = [0, 256], sizes = [8, 256], strides = [1, 1]} : vector<8x512xf32> to vector<8x256xf32>
        %select_n3A_172 = arith.select %or3A_164, %slice3A_170, %slice3A_171 : vector<8x256xi1>, vector<8x256xf32>
        %slice3A_173 = vector.extract_strided_slice %select_n3A_155 {offsets = [0, 0], sizes = [8, 256], strides = [1, 1]} : vector<8x512xf32> to vector<8x256xf32>
        %slice3A_174 = vector.extract_strided_slice %select_n3A_155 {offsets = [0, 256], sizes = [8, 256], strides = [1, 1]} : vector<8x512xf32> to vector<8x256xf32>
        %select_n3A_175 = arith.select %or3A_164, %slice3A_173, %slice3A_174 : vector<8x256xi1>, vector<8x256xf32>
        %slice3A_176 = vector.extract_strided_slice %select_n3A_165 {offsets = [0, 0], sizes = [8, 128], strides = [1, 1]} : vector<8x256xf32> to vector<8x128xf32>
        %slice3A_177 = vector.extract_strided_slice %select_n3A_165 {offsets = [0, 128], sizes = [8, 128], strides = [1, 1]} : vector<8x256xf32> to vector<8x128xf32>
        %slice3A_178 = vector.extract_strided_slice %select_n3A_166 {offsets = [0, 0], sizes = [8, 128], strides = [1, 1]} : vector<8x256xf32> to vector<8x128xf32>
        %slice3A_179 = vector.extract_strided_slice %select_n3A_166 {offsets = [0, 128], sizes = [8, 128], strides = [1, 1]} : vector<8x256xf32> to vector<8x128xf32>
        %gt3A_180 = arith.cmpf ogt, %slice3A_176, %slice3A_177 : vector<8x128xf32>
        %eq3A_181 = arith.cmpf oeq, %slice3A_176, %slice3A_177 : vector<8x128xf32>
        %lt3A_182 = arith.cmpf olt, %slice3A_178, %slice3A_179 : vector<8x128xf32>
        %and3A_183 = arith.andi %eq3A_181, %lt3A_182 : vector<8x128xi1>
        %or3A_184 = arith.ori %gt3A_180, %and3A_183 : vector<8x128xi1>
        %select_n3A_185 = arith.select %or3A_184, %slice3A_176, %slice3A_177 : vector<8x128xi1>, vector<8x128xf32>
        %select_n3A_186 = arith.select %or3A_184, %slice3A_178, %slice3A_179 : vector<8x128xi1>, vector<8x128xf32>
        %slice3A_187 = vector.extract_strided_slice %select_n3A_169 {offsets = [0, 0], sizes = [8, 128], strides = [1, 1]} : vector<8x256xf32> to vector<8x128xf32>
        %slice3A_188 = vector.extract_strided_slice %select_n3A_169 {offsets = [0, 128], sizes = [8, 128], strides = [1, 1]} : vector<8x256xf32> to vector<8x128xf32>
        %select_n3A_189 = arith.select %or3A_184, %slice3A_187, %slice3A_188 : vector<8x128xi1>, vector<8x128xf32>
        %slice3A_190 = vector.extract_strided_slice %select_n3A_172 {offsets = [0, 0], sizes = [8, 128], strides = [1, 1]} : vector<8x256xf32> to vector<8x128xf32>
        %slice3A_191 = vector.extract_strided_slice %select_n3A_172 {offsets = [0, 128], sizes = [8, 128], strides = [1, 1]} : vector<8x256xf32> to vector<8x128xf32>
        %select_n3A_192 = arith.select %or3A_184, %slice3A_190, %slice3A_191 : vector<8x128xi1>, vector<8x128xf32>
        %slice3A_193 = vector.extract_strided_slice %select_n3A_175 {offsets = [0, 0], sizes = [8, 128], strides = [1, 1]} : vector<8x256xf32> to vector<8x128xf32>
        %slice3A_194 = vector.extract_strided_slice %select_n3A_175 {offsets = [0, 128], sizes = [8, 128], strides = [1, 1]} : vector<8x256xf32> to vector<8x128xf32>
        %select_n3A_195 = arith.select %or3A_184, %slice3A_193, %slice3A_194 : vector<8x128xi1>, vector<8x128xf32>
        %reduce_max3A = arith.constant dense<0xFF800000> : vector<8xf32>
        %reduce_max3A_196 = vector.multi_reduction <maximumf>, %select_n3A_185, %reduce_max3A [1] : vector<8x128xf32> to vector<8xf32>
        %broadcast_in_dim3A_197 = vector.shape_cast %reduce_max3A_196 : vector<8xf32> to vector<8x1xf32>
        %eq3A_198 = vector.broadcast %broadcast_in_dim3A_197 : vector<8x1xf32> to vector<8x128xf32>
        %eq3A_199 = arith.cmpf oeq, %select_n3A_185, %eq3A_198 : vector<8x128xf32>
        %jit3A = arith.constant 4.096000e+03 : f32
        %broadcast_in_dim3A_200 = vector.broadcast %jit3A : f32 to vector<8x128xf32>
        %select_n3A_201 = arith.select %eq3A_199, %select_n3A_186, %broadcast_in_dim3A_200 : vector<8x128xi1>, vector<8x128xf32>
        %reduce_min3A = arith.constant dense<0x7F800000> : vector<8xf32>
        %reduce_min3A_202 = vector.multi_reduction <minimumf>, %select_n3A_201, %reduce_min3A [1] : vector<8x128xf32> to vector<8xf32>
        %broadcast_in_dim3A_203 = vector.shape_cast %reduce_min3A_202 : vector<8xf32> to vector<8x1xf32>
        %eq3A_204 = vector.broadcast %broadcast_in_dim3A_203 : vector<8x1xf32> to vector<8x128xf32>
        %eq3A_205 = arith.cmpf oeq, %select_n3A_186, %eq3A_204 : vector<8x128xf32>
        %jit3A_206 = arith.constant 0.000000e+00 : f32
        %broadcast_in_dim3A_207 = vector.broadcast %jit3A_206 : f32 to vector<8x128xf32>
        %select_n3A_208 = arith.select %eq3A_205, %select_n3A_189, %broadcast_in_dim3A_207 : vector<8x128xi1>, vector<8x128xf32>
        %reduce_sum3A = arith.constant dense<0.000000e+00> : vector<8xf32>
        %reduce_sum3A_209 = vector.multi_reduction <add>, %select_n3A_208, %reduce_sum3A [1] : vector<8x128xf32> to vector<8xf32>
        %broadcast_in_dim3A_210 = vector.shape_cast %reduce_sum3A_209 : vector<8xf32> to vector<8x1xf32>
        %jit3A_211 = arith.constant 0.000000e+00 : f32
        %broadcast_in_dim3A_212 = vector.broadcast %jit3A_211 : f32 to vector<8x128xf32>
        %select_n3A_213 = arith.select %eq3A_205, %select_n3A_192, %broadcast_in_dim3A_212 : vector<8x128xi1>, vector<8x128xf32>
        %reduce_sum3A_214 = arith.constant dense<0.000000e+00> : vector<8xf32>
        %reduce_sum3A_215 = vector.multi_reduction <add>, %select_n3A_213, %reduce_sum3A_214 [1] : vector<8x128xf32> to vector<8xf32>
        %broadcast_in_dim3A_216 = vector.shape_cast %reduce_sum3A_215 : vector<8xf32> to vector<8x1xf32>
        %jit3A_217 = arith.constant 0.000000e+00 : f32
        %broadcast_in_dim3A_218 = vector.broadcast %jit3A_217 : f32 to vector<8x128xf32>
        %select_n3A_219 = arith.select %eq3A_205, %select_n3A_195, %broadcast_in_dim3A_218 : vector<8x128xi1>, vector<8x128xf32>
        %reduce_sum3A_220 = arith.constant dense<0.000000e+00> : vector<8xf32>
        %reduce_sum3A_221 = vector.multi_reduction <add>, %select_n3A_219, %reduce_sum3A_220 [1] : vector<8x128xf32> to vector<8xf32>
        %broadcast_in_dim3A_222 = vector.shape_cast %reduce_sum3A_221 : vector<8xf32> to vector<8x1xf32>
        %convert_element_type3A_223 = arith.fptosi %broadcast_in_dim3A_203 : vector<8x1xf32> to vector<8x1xi32>
        scf.yield %broadcast_in_dim3A_210, %broadcast_in_dim3A_216, %broadcast_in_dim3A_222, %convert_element_type3A_223, %select_n3A, %select_n3A_77, %select_n3A_80, %select_n3A_83 : vector<8x1xf32>, vector<8x1xf32>, vector<8x1xf32>, vector<8x1xi32>, vector<8x128xi32>, vector<8x128xf32>, vector<8x128xf32>, vector<8x128xf32>
      }
      %scan3A_48 = arith.constant 128 : i32
      %mul3A_49 = arith.constant 128 : i32
      %mul3A_50 = arith.muli %scan3A_34, %mul3A_49 : i32
      %multiple_of3A = tpu.assume_multiple %mul3A_50, 128 : i32
      %swap3A_51 = arith.constant 0 : index
      %swap3A_52 = arith.index_cast %multiple_of3A : i32 to index
      %swap3A_53 = vector.load %arg1[%swap3A_51, %swap3A_52] : memref<8x1024xi32, #tpu.memory_space<vmem>>, vector<8x128xi32>
      tpu.vector_store %arg1[%swap3A_51, %swap3A_52], %scan3A_47#4 {strides = array<i32>} : memref<8x1024xi32, #tpu.memory_space<vmem>>, vector<8x128xi32>,
      %swap3A_54 = arith.constant 0 : index
      %swap3A_55 = arith.index_cast %multiple_of3A : i32 to index
      %swap3A_56 = vector.load %arg2[%swap3A_54, %swap3A_55] : memref<8x1024xf32, #tpu.memory_space<vmem>>, vector<8x128xf32>
      tpu.vector_store %arg2[%swap3A_54, %swap3A_55], %scan3A_47#5 {strides = array<i32>} : memref<8x1024xf32, #tpu.memory_space<vmem>>, vector<8x128xf32>,
      %swap3A_57 = arith.constant 0 : index
      %swap3A_58 = arith.index_cast %multiple_of3A : i32 to index
      %swap3A_59 = vector.load %arg3[%swap3A_57, %swap3A_58] : memref<8x1024xf32, #tpu.memory_space<vmem>>, vector<8x128xf32>
      tpu.vector_store %arg3[%swap3A_57, %swap3A_58], %scan3A_47#6 {strides = array<i32>} : memref<8x1024xf32, #tpu.memory_space<vmem>>, vector<8x128xf32>,
      %swap3A_60 = arith.constant 0 : index
      %swap3A_61 = arith.index_cast %multiple_of3A : i32 to index
      %swap3A_62 = vector.load %arg4[%swap3A_60, %swap3A_61] : memref<8x1024xf32, #tpu.memory_space<vmem>>, vector<8x128xf32>
      tpu.vector_store %arg4[%swap3A_60, %swap3A_61], %scan3A_47#7 {strides = array<i32>} : memref<8x1024xf32, #tpu.memory_space<vmem>>, vector<8x128xf32>,
      scf.yield %scan3A_47#0, %scan3A_47#1, %scan3A_47#2, %scan3A_47#3, %scan3A_47#4, %scan3A_47#5, %scan3A_47#6, %scan3A_47#7 : vector<8x1xf32>, vector<8x1xf32>, vector<8x1xf32>, vector<8x1xi32>, vector<8x128xi32>, vector<8x128xf32>, vector<8x128xf32>, vector<8x128xf32>
    }
    %scan3A_33 = arith.constant 8 : i32
    return
  }
}

module attributes {stable_mosaic.version = 14 : i64} {
  func.func @_knn_body(%arg0: i32, %arg1: i32, %arg2: memref<1x1x4096xf32, #tpu.memory_space<vmem>>, %arg3: memref<1x1x4096xf32, #tpu.memory_space<vmem>>, %arg4: memref<1x1x4096xf32, #tpu.memory_space<vmem>>, %arg5: memref<256x1xf32, #tpu.memory_space<vmem>>, %arg6: memref<256x1xf32, #tpu.memory_space<vmem>>, %arg7: memref<256x1xf32, #tpu.memory_space<vmem>>, %arg8: memref<256x24xi32, #tpu.memory_space<vmem>>, %arg9: memref<256x4096xf32, #tpu.memory_space<vmem>>) attributes {dimension_semantics = [#tpu.dimension_semantics<arbitrary>, #tpu.dimension_semantics<arbitrary>], iteration_bounds = array<i64: 8, 4>, scalar_prefetch = 0 : i64, scratch_operands = 1 : i64, tpu.core_type = #tpu.core_type<tc>, window_params = [{transform_indices = @transform_0, window_bounds = array<i64: 1, 1, 4096>}, {transform_indices = @transform_1, window_bounds = array<i64: 1, 1, 4096>}, {transform_indices = @transform_2, window_bounds = array<i64: 1, 1, 4096>}, {transform_indices = @transform_3, window_bounds = array<i64: 256, 1>}, {transform_indices = @transform_4, window_bounds = array<i64: 256, 1>}, {transform_indices = @transform_5, window_bounds = array<i64: 256, 1>}, {transform_indices = @transform_6, window_bounds = array<i64: 256, 24>}]} {
    %get3A = arith.constant 0 : index
    %get3A_0 = arith.constant 0 : index
    %get3A_1 = arith.constant 0 : index
    %get3A_2 = vector.load %arg2[%get3A, %get3A_0, %get3A_1] : memref<1x1x4096xf32, #tpu.memory_space<vmem>>, vector<1x1x4096xf32>
    %get3A_3 = vector.shape_cast %get3A_2 : vector<1x1x4096xf32> to vector<1x4096xf32>
    %get3A_4 = arith.constant 0 : index
    %get3A_5 = arith.constant 0 : index
    %get3A_6 = arith.constant 0 : index
    %get3A_7 = vector.load %arg3[%get3A_4, %get3A_5, %get3A_6] : memref<1x1x4096xf32, #tpu.memory_space<vmem>>, vector<1x1x4096xf32>
    %get3A_8 = vector.shape_cast %get3A_7 : vector<1x1x4096xf32> to vector<1x4096xf32>
    %get3A_9 = arith.constant 0 : index
    %get3A_10 = arith.constant 0 : index
    %get3A_11 = arith.constant 0 : index
    %get3A_12 = vector.load %arg4[%get3A_9, %get3A_10, %get3A_11] : memref<1x1x4096xf32, #tpu.memory_space<vmem>>, vector<1x1x4096xf32>
    %get3A_13 = vector.shape_cast %get3A_12 : vector<1x1x4096xf32> to vector<1x4096xf32>
    %mul3A = arith.mulf %get3A_3, %get3A_3 : vector<1x4096xf32>
    %mul3A_14 = arith.mulf %get3A_8, %get3A_8 : vector<1x4096xf32>
    %add3A = arith.addf %mul3A, %mul3A_14 : vector<1x4096xf32>
    %mul3A_15 = arith.mulf %get3A_13, %get3A_13 : vector<1x4096xf32>
    %add3A_16 = arith.addf %add3A, %mul3A_15 : vector<1x4096xf32>
    %get3A_17 = arith.constant 0 : index
    %get3A_18 = arith.constant 0 : index
    %get3A_19 = vector.load %arg5[%get3A_17, %get3A_18] : memref<256x1xf32, #tpu.memory_space<vmem>>, vector<256x1xf32>
    %get3A_20 = arith.constant 0 : index
    %get3A_21 = arith.constant 0 : index
    %get3A_22 = vector.load %arg6[%get3A_20, %get3A_21] : memref<256x1xf32, #tpu.memory_space<vmem>>, vector<256x1xf32>
    %get3A_23 = arith.constant 0 : index
    %get3A_24 = arith.constant 0 : index
    %get3A_25 = vector.load %arg7[%get3A_23, %get3A_24] : memref<256x1xf32, #tpu.memory_space<vmem>>, vector<256x1xf32>
    %mul3A_26 = arith.mulf %get3A_19, %get3A_19 : vector<256x1xf32>
    %mul3A_27 = arith.mulf %get3A_22, %get3A_22 : vector<256x1xf32>
    %add3A_28 = arith.addf %mul3A_26, %mul3A_27 : vector<256x1xf32>
    %mul3A_29 = arith.mulf %get3A_25, %get3A_25 : vector<256x1xf32>
    %add3A_30 = arith.addf %add3A_28, %mul3A_29 : vector<256x1xf32>
    %convert_element_type3A = arith.truncf %get3A_19 : vector<256x1xf32> to vector<256x1xbf16>
    %convert_element_type3A_31 = arith.extf %convert_element_type3A : vector<256x1xbf16> to vector<256x1xf32>
    %convert_element_type3A_32 = arith.truncf %get3A_3 : vector<1x4096xf32> to vector<1x4096xbf16>
    %convert_element_type3A_33 = arith.extf %convert_element_type3A_32 : vector<1x4096xbf16> to vector<1x4096xf32>
    %mul3A_34 = vector.broadcast %convert_element_type3A_31 : vector<256x1xf32> to vector<256x4096xf32>
    %mul3A_35 = vector.broadcast %convert_element_type3A_33 : vector<1x4096xf32> to vector<256x4096xf32>
    %mul3A_36 = arith.mulf %mul3A_34, %mul3A_35 : vector<256x4096xf32>
    %convert_element_type3A_37 = arith.truncf %get3A_22 : vector<256x1xf32> to vector<256x1xbf16>
    %convert_element_type3A_38 = arith.extf %convert_element_type3A_37 : vector<256x1xbf16> to vector<256x1xf32>
    %convert_element_type3A_39 = arith.truncf %get3A_8 : vector<1x4096xf32> to vector<1x4096xbf16>
    %convert_element_type3A_40 = arith.extf %convert_element_type3A_39 : vector<1x4096xbf16> to vector<1x4096xf32>
    %mul3A_41 = vector.broadcast %convert_element_type3A_38 : vector<256x1xf32> to vector<256x4096xf32>
    %mul3A_42 = vector.broadcast %convert_element_type3A_40 : vector<1x4096xf32> to vector<256x4096xf32>
    %mul3A_43 = arith.mulf %mul3A_41, %mul3A_42 : vector<256x4096xf32>
    %add3A_44 = arith.addf %mul3A_36, %mul3A_43 : vector<256x4096xf32>
    %convert_element_type3A_45 = arith.truncf %get3A_25 : vector<256x1xf32> to vector<256x1xbf16>
    %convert_element_type3A_46 = arith.extf %convert_element_type3A_45 : vector<256x1xbf16> to vector<256x1xf32>
    %convert_element_type3A_47 = arith.truncf %get3A_13 : vector<1x4096xf32> to vector<1x4096xbf16>
    %convert_element_type3A_48 = arith.extf %convert_element_type3A_47 : vector<1x4096xbf16> to vector<1x4096xf32>
    %mul3A_49 = vector.broadcast %convert_element_type3A_46 : vector<256x1xf32> to vector<256x4096xf32>
    %mul3A_50 = vector.broadcast %convert_element_type3A_48 : vector<1x4096xf32> to vector<256x4096xf32>
    %mul3A_51 = arith.mulf %mul3A_49, %mul3A_50 : vector<256x4096xf32>
    %add3A_52 = arith.addf %add3A_44, %mul3A_51 : vector<256x4096xf32>
    %add3A_53 = vector.broadcast %add3A_30 : vector<256x1xf32> to vector<256x4096xf32>
    %add3A_54 = vector.broadcast %add3A_16 : vector<1x4096xf32> to vector<256x4096xf32>
    %add3A_55 = arith.addf %add3A_53, %add3A_54 : vector<256x4096xf32>
    %mul3A_56 = arith.constant 2.000000e+00 : f32
    %mul3A_57 = vector.broadcast %mul3A_56 : f32 to vector<256x4096xf32>
    %mul3A_58 = arith.mulf %mul3A_57, %add3A_52 : vector<256x4096xf32>
    %sub3A = arith.subf %add3A_55, %mul3A_58 : vector<256x4096xf32>
    %swap3A = arith.constant 0 : index
    %swap3A_59 = arith.constant 0 : index
    %swap3A_60 = vector.load %arg9[%swap3A, %swap3A_59] : memref<256x4096xf32, #tpu.memory_space<vmem>>, vector<256x4096xf32>
    tpu.vector_store %arg9[%swap3A, %swap3A_59], %sub3A {strides = array<i32>} : memref<256x4096xf32, #tpu.memory_space<vmem>>, vector<256x4096xf32>,
    %iota3A = tpu.iota {dimensions = array<i32: 1>} : vector<256x4096xi32>
    %convert_element_type3A_61 = arith.sitofp %iota3A : vector<256x4096xi32> to vector<256x4096xf32>
    %mul3A_62 = arith.constant 4096 : i32
    %mul3A_63 = arith.muli %arg0, %mul3A_62 : i32
    %get3A_64 = arith.constant 0 : index
    %get3A_65 = arith.constant 0 : index
    %get3A_66 = vector.load %arg9[%get3A_64, %get3A_65] : memref<256x4096xf32, #tpu.memory_space<vmem>>, vector<256x4096xf32>
    %reduce_min3A = arith.constant dense<0x7F800000> : vector<256xf32>
    %reduce_min3A_67 = vector.multi_reduction <minimumf>, %get3A_66, %reduce_min3A [1] : vector<256x4096xf32> to vector<256xf32>
    %broadcast_in_dim3A = vector.shape_cast %reduce_min3A_67 : vector<256xf32> to vector<256x1xf32>
    %eq3A = vector.broadcast %broadcast_in_dim3A : vector<256x1xf32> to vector<256x4096xf32>
    %eq3A_68 = arith.cmpf oeq, %get3A_66, %eq3A : vector<256x4096xf32>
    %jit3A = arith.constant 4.096000e+03 : f32
    %broadcast_in_dim3A_69 = vector.broadcast %jit3A : f32 to vector<256x4096xf32>
    %select_n3A = arith.select %eq3A_68, %convert_element_type3A_61, %broadcast_in_dim3A_69 : vector<256x4096xi1>, vector<256x4096xf32>
    %reduce_min3A_70 = arith.constant dense<0x7F800000> : vector<256xf32>
    %reduce_min3A_71 = vector.multi_reduction <minimumf>, %select_n3A, %reduce_min3A_70 [1] : vector<256x4096xf32> to vector<256xf32>
    %broadcast_in_dim3A_72 = vector.shape_cast %reduce_min3A_71 : vector<256xf32> to vector<256x1xf32>
    %convert_element_type3A_73 = arith.fptosi %broadcast_in_dim3A_72 : vector<256x1xf32> to vector<256x1xi32>
    %add3A_74 = vector.broadcast %mul3A_63 : i32 to vector<256x1xi32>
    %add3A_75 = arith.addi %convert_element_type3A_73, %add3A_74 : vector<256x1xi32>
    %swap3A_76 = arith.constant 0 : index
    %swap3A_77 = arith.constant 0 : index
    %swap3A_78 = vector.load %arg8[%swap3A_76, %swap3A_77] : memref<256x24xi32, #tpu.memory_space<vmem>>, vector<256x1xi32>
    tpu.vector_store %arg8[%swap3A_76, %swap3A_77], %add3A_75 {strides = array<i32>} : memref<256x24xi32, #tpu.memory_space<vmem>>, vector<256x1xi32>,
    %eq3A_79 = vector.broadcast %broadcast_in_dim3A_72 : vector<256x1xf32> to vector<256x4096xf32>
    %eq3A_80 = arith.cmpf oeq, %convert_element_type3A_61, %eq3A_79 : vector<256x4096xf32>
    %jit3A_81 = arith.constant 3.000000e+38 : f32
    %broadcast_in_dim3A_82 = vector.broadcast %jit3A_81 : f32 to vector<256x4096xf32>
    %select_n3A_83 = arith.select %eq3A_80, %broadcast_in_dim3A_82, %get3A_66 : vector<256x4096xi1>, vector<256x4096xf32>
    %swap3A_84 = arith.constant 0 : index
    %swap3A_85 = arith.constant 0 : index
    %swap3A_86 = vector.load %arg9[%swap3A_84, %swap3A_85] : memref<256x4096xf32, #tpu.memory_space<vmem>>, vector<256x4096xf32>
    tpu.vector_store %arg9[%swap3A_84, %swap3A_85], %select_n3A_83 {strides = array<i32>} : memref<256x4096xf32, #tpu.memory_space<vmem>>, vector<256x4096xf32>,
    %get3A_87 = arith.constant 0 : index
    %get3A_88 = arith.constant 0 : index
    %get3A_89 = vector.load %arg9[%get3A_87, %get3A_88] : memref<256x4096xf32, #tpu.memory_space<vmem>>, vector<256x4096xf32>
    %reduce_min3A_90 = arith.constant dense<0x7F800000> : vector<256xf32>
    %reduce_min3A_91 = vector.multi_reduction <minimumf>, %get3A_89, %reduce_min3A_90 [1] : vector<256x4096xf32> to vector<256xf32>
    %broadcast_in_dim3A_92 = vector.shape_cast %reduce_min3A_91 : vector<256xf32> to vector<256x1xf32>
    %eq3A_93 = vector.broadcast %broadcast_in_dim3A_92 : vector<256x1xf32> to vector<256x4096xf32>
    %eq3A_94 = arith.cmpf oeq, %get3A_89, %eq3A_93 : vector<256x4096xf32>
    %jit3A_95 = arith.constant 4.096000e+03 : f32
    %broadcast_in_dim3A_96 = vector.broadcast %jit3A_95 : f32 to vector<256x4096xf32>
    %select_n3A_97 = arith.select %eq3A_94, %convert_element_type3A_61, %broadcast_in_dim3A_96 : vector<256x4096xi1>, vector<256x4096xf32>
    %reduce_min3A_98 = arith.constant dense<0x7F800000> : vector<256xf32>
    %reduce_min3A_99 = vector.multi_reduction <minimumf>, %select_n3A_97, %reduce_min3A_98 [1] : vector<256x4096xf32> to vector<256xf32>
    %broadcast_in_dim3A_100 = vector.shape_cast %reduce_min3A_99 : vector<256xf32> to vector<256x1xf32>
    %convert_element_type3A_101 = arith.fptosi %broadcast_in_dim3A_100 : vector<256x1xf32> to vector<256x1xi32>
    %add3A_102 = vector.broadcast %mul3A_63 : i32 to vector<256x1xi32>
    %add3A_103 = arith.addi %convert_element_type3A_101, %add3A_102 : vector<256x1xi32>
    %swap3A_104 = arith.constant 0 : index
    %swap3A_105 = arith.constant 1 : index
    %swap3A_106 = vector.load %arg8[%swap3A_104, %swap3A_105] : memref<256x24xi32, #tpu.memory_space<vmem>>, vector<256x1xi32>
    tpu.vector_store %arg8[%swap3A_104, %swap3A_105], %add3A_103 {strides = array<i32>} : memref<256x24xi32, #tpu.memory_space<vmem>>, vector<256x1xi32>,
    %eq3A_107 = vector.broadcast %broadcast_in_dim3A_100 : vector<256x1xf32> to vector<256x4096xf32>
    %eq3A_108 = arith.cmpf oeq, %convert_element_type3A_61, %eq3A_107 : vector<256x4096xf32>
    %jit3A_109 = arith.constant 3.000000e+38 : f32
    %broadcast_in_dim3A_110 = vector.broadcast %jit3A_109 : f32 to vector<256x4096xf32>
    %select_n3A_111 = arith.select %eq3A_108, %broadcast_in_dim3A_110, %get3A_89 : vector<256x4096xi1>, vector<256x4096xf32>
    %swap3A_112 = arith.constant 0 : index
    %swap3A_113 = arith.constant 0 : index
    %swap3A_114 = vector.load %arg9[%swap3A_112, %swap3A_113] : memref<256x4096xf32, #tpu.memory_space<vmem>>, vector<256x4096xf32>
    tpu.vector_store %arg9[%swap3A_112, %swap3A_113], %select_n3A_111 {strides = array<i32>} : memref<256x4096xf32, #tpu.memory_space<vmem>>, vector<256x4096xf32>,
    %get3A_115 = arith.constant 0 : index
    %get3A_116 = arith.constant 0 : index
    %get3A_117 = vector.load %arg9[%get3A_115, %get3A_116] : memref<256x4096xf32, #tpu.memory_space<vmem>>, vector<256x4096xf32>
    %reduce_min3A_118 = arith.constant dense<0x7F800000> : vector<256xf32>
    %reduce_min3A_119 = vector.multi_reduction <minimumf>, %get3A_117, %reduce_min3A_118 [1] : vector<256x4096xf32> to vector<256xf32>
    %broadcast_in_dim3A_120 = vector.shape_cast %reduce_min3A_119 : vector<256xf32> to vector<256x1xf32>
    %eq3A_121 = vector.broadcast %broadcast_in_dim3A_120 : vector<256x1xf32> to vector<256x4096xf32>
    %eq3A_122 = arith.cmpf oeq, %get3A_117, %eq3A_121 : vector<256x4096xf32>
    %jit3A_123 = arith.constant 4.096000e+03 : f32
    %broadcast_in_dim3A_124 = vector.broadcast %jit3A_123 : f32 to vector<256x4096xf32>
    %select_n3A_125 = arith.select %eq3A_122, %convert_element_type3A_61, %broadcast_in_dim3A_124 : vector<256x4096xi1>, vector<256x4096xf32>
    %reduce_min3A_126 = arith.constant dense<0x7F800000> : vector<256xf32>
    %reduce_min3A_127 = vector.multi_reduction <minimumf>, %select_n3A_125, %reduce_min3A_126 [1] : vector<256x4096xf32> to vector<256xf32>
    %broadcast_in_dim3A_128 = vector.shape_cast %reduce_min3A_127 : vector<256xf32> to vector<256x1xf32>
    %convert_element_type3A_129 = arith.fptosi %broadcast_in_dim3A_128 : vector<256x1xf32> to vector<256x1xi32>
    %add3A_130 = vector.broadcast %mul3A_63 : i32 to vector<256x1xi32>
    %add3A_131 = arith.addi %convert_element_type3A_129, %add3A_130 : vector<256x1xi32>
    %swap3A_132 = arith.constant 0 : index
    %swap3A_133 = arith.constant 2 : index
    %swap3A_134 = vector.load %arg8[%swap3A_132, %swap3A_133] : memref<256x24xi32, #tpu.memory_space<vmem>>, vector<256x1xi32>
    tpu.vector_store %arg8[%swap3A_132, %swap3A_133], %add3A_131 {strides = array<i32>} : memref<256x24xi32, #tpu.memory_space<vmem>>, vector<256x1xi32>,
    %eq3A_135 = vector.broadcast %broadcast_in_dim3A_128 : vector<256x1xf32> to vector<256x4096xf32>
    %eq3A_136 = arith.cmpf oeq, %convert_element_type3A_61, %eq3A_135 : vector<256x4096xf32>
    %jit3A_137 = arith.constant 3.000000e+38 : f32
    %broadcast_in_dim3A_138 = vector.broadcast %jit3A_137 : f32 to vector<256x4096xf32>
    %select_n3A_139 = arith.select %eq3A_136, %broadcast_in_dim3A_138, %get3A_117 : vector<256x4096xi1>, vector<256x4096xf32>
    %swap3A_140 = arith.constant 0 : index
    %swap3A_141 = arith.constant 0 : index
    %swap3A_142 = vector.load %arg9[%swap3A_140, %swap3A_141] : memref<256x4096xf32, #tpu.memory_space<vmem>>, vector<256x4096xf32>
    tpu.vector_store %arg9[%swap3A_140, %swap3A_141], %select_n3A_139 {strides = array<i32>} : memref<256x4096xf32, #tpu.memory_space<vmem>>, vector<256x4096xf32>,
    %get3A_143 = arith.constant 0 : index
    %get3A_144 = arith.constant 0 : index
    %get3A_145 = vector.load %arg9[%get3A_143, %get3A_144] : memref<256x4096xf32, #tpu.memory_space<vmem>>, vector<256x4096xf32>
    %reduce_min3A_146 = arith.constant dense<0x7F800000> : vector<256xf32>
    %reduce_min3A_147 = vector.multi_reduction <minimumf>, %get3A_145, %reduce_min3A_146 [1] : vector<256x4096xf32> to vector<256xf32>
    %broadcast_in_dim3A_148 = vector.shape_cast %reduce_min3A_147 : vector<256xf32> to vector<256x1xf32>
    %eq3A_149 = vector.broadcast %broadcast_in_dim3A_148 : vector<256x1xf32> to vector<256x4096xf32>
    %eq3A_150 = arith.cmpf oeq, %get3A_145, %eq3A_149 : vector<256x4096xf32>
    %jit3A_151 = arith.constant 4.096000e+03 : f32
    %broadcast_in_dim3A_152 = vector.broadcast %jit3A_151 : f32 to vector<256x4096xf32>
    %select_n3A_153 = arith.select %eq3A_150, %convert_element_type3A_61, %broadcast_in_dim3A_152 : vector<256x4096xi1>, vector<256x4096xf32>
    %reduce_min3A_154 = arith.constant dense<0x7F800000> : vector<256xf32>
    %reduce_min3A_155 = vector.multi_reduction <minimumf>, %select_n3A_153, %reduce_min3A_154 [1] : vector<256x4096xf32> to vector<256xf32>
    %broadcast_in_dim3A_156 = vector.shape_cast %reduce_min3A_155 : vector<256xf32> to vector<256x1xf32>
    %convert_element_type3A_157 = arith.fptosi %broadcast_in_dim3A_156 : vector<256x1xf32> to vector<256x1xi32>
    %add3A_158 = vector.broadcast %mul3A_63 : i32 to vector<256x1xi32>
    %add3A_159 = arith.addi %convert_element_type3A_157, %add3A_158 : vector<256x1xi32>
    %swap3A_160 = arith.constant 0 : index
    %swap3A_161 = arith.constant 3 : index
    %swap3A_162 = vector.load %arg8[%swap3A_160, %swap3A_161] : memref<256x24xi32, #tpu.memory_space<vmem>>, vector<256x1xi32>
    tpu.vector_store %arg8[%swap3A_160, %swap3A_161], %add3A_159 {strides = array<i32>} : memref<256x24xi32, #tpu.memory_space<vmem>>, vector<256x1xi32>,
    %eq3A_163 = vector.broadcast %broadcast_in_dim3A_156 : vector<256x1xf32> to vector<256x4096xf32>
    %eq3A_164 = arith.cmpf oeq, %convert_element_type3A_61, %eq3A_163 : vector<256x4096xf32>
    %jit3A_165 = arith.constant 3.000000e+38 : f32
    %broadcast_in_dim3A_166 = vector.broadcast %jit3A_165 : f32 to vector<256x4096xf32>
    %select_n3A_167 = arith.select %eq3A_164, %broadcast_in_dim3A_166, %get3A_145 : vector<256x4096xi1>, vector<256x4096xf32>
    %swap3A_168 = arith.constant 0 : index
    %swap3A_169 = arith.constant 0 : index
    %swap3A_170 = vector.load %arg9[%swap3A_168, %swap3A_169] : memref<256x4096xf32, #tpu.memory_space<vmem>>, vector<256x4096xf32>
    tpu.vector_store %arg9[%swap3A_168, %swap3A_169], %select_n3A_167 {strides = array<i32>} : memref<256x4096xf32, #tpu.memory_space<vmem>>, vector<256x4096xf32>,
    %get3A_171 = arith.constant 0 : index
    %get3A_172 = arith.constant 0 : index
    %get3A_173 = vector.load %arg9[%get3A_171, %get3A_172] : memref<256x4096xf32, #tpu.memory_space<vmem>>, vector<256x4096xf32>
    %reduce_min3A_174 = arith.constant dense<0x7F800000> : vector<256xf32>
    %reduce_min3A_175 = vector.multi_reduction <minimumf>, %get3A_173, %reduce_min3A_174 [1] : vector<256x4096xf32> to vector<256xf32>
    %broadcast_in_dim3A_176 = vector.shape_cast %reduce_min3A_175 : vector<256xf32> to vector<256x1xf32>
    %eq3A_177 = vector.broadcast %broadcast_in_dim3A_176 : vector<256x1xf32> to vector<256x4096xf32>
    %eq3A_178 = arith.cmpf oeq, %get3A_173, %eq3A_177 : vector<256x4096xf32>
    %jit3A_179 = arith.constant 4.096000e+03 : f32
    %broadcast_in_dim3A_180 = vector.broadcast %jit3A_179 : f32 to vector<256x4096xf32>
    %select_n3A_181 = arith.select %eq3A_178, %convert_element_type3A_61, %broadcast_in_dim3A_180 : vector<256x4096xi1>, vector<256x4096xf32>
    %reduce_min3A_182 = arith.constant dense<0x7F800000> : vector<256xf32>
    %reduce_min3A_183 = vector.multi_reduction <minimumf>, %select_n3A_181, %reduce_min3A_182 [1] : vector<256x4096xf32> to vector<256xf32>
    %broadcast_in_dim3A_184 = vector.shape_cast %reduce_min3A_183 : vector<256xf32> to vector<256x1xf32>
    %convert_element_type3A_185 = arith.fptosi %broadcast_in_dim3A_184 : vector<256x1xf32> to vector<256x1xi32>
    %add3A_186 = vector.broadcast %mul3A_63 : i32 to vector<256x1xi32>
    %add3A_187 = arith.addi %convert_element_type3A_185, %add3A_186 : vector<256x1xi32>
    %swap3A_188 = arith.constant 0 : index
    %swap3A_189 = arith.constant 4 : index
    %swap3A_190 = vector.load %arg8[%swap3A_188, %swap3A_189] : memref<256x24xi32, #tpu.memory_space<vmem>>, vector<256x1xi32>
    tpu.vector_store %arg8[%swap3A_188, %swap3A_189], %add3A_187 {strides = array<i32>} : memref<256x24xi32, #tpu.memory_space<vmem>>, vector<256x1xi32>,
    %eq3A_191 = vector.broadcast %broadcast_in_dim3A_184 : vector<256x1xf32> to vector<256x4096xf32>
    %eq3A_192 = arith.cmpf oeq, %convert_element_type3A_61, %eq3A_191 : vector<256x4096xf32>
    %jit3A_193 = arith.constant 3.000000e+38 : f32
    %broadcast_in_dim3A_194 = vector.broadcast %jit3A_193 : f32 to vector<256x4096xf32>
    %select_n3A_195 = arith.select %eq3A_192, %broadcast_in_dim3A_194, %get3A_173 : vector<256x4096xi1>, vector<256x4096xf32>
    %swap3A_196 = arith.constant 0 : index
    %swap3A_197 = arith.constant 0 : index
    %swap3A_198 = vector.load %arg9[%swap3A_196, %swap3A_197] : memref<256x4096xf32, #tpu.memory_space<vmem>>, vector<256x4096xf32>
    tpu.vector_store %arg9[%swap3A_196, %swap3A_197], %select_n3A_195 {strides = array<i32>} : memref<256x4096xf32, #tpu.memory_space<vmem>>, vector<256x4096xf32>,
    %get3A_199 = arith.constant 0 : index
    %get3A_200 = arith.constant 0 : index
    %get3A_201 = vector.load %arg9[%get3A_199, %get3A_200] : memref<256x4096xf32, #tpu.memory_space<vmem>>, vector<256x4096xf32>
    %reduce_min3A_202 = arith.constant dense<0x7F800000> : vector<256xf32>
    %reduce_min3A_203 = vector.multi_reduction <minimumf>, %get3A_201, %reduce_min3A_202 [1] : vector<256x4096xf32> to vector<256xf32>
    %broadcast_in_dim3A_204 = vector.shape_cast %reduce_min3A_203 : vector<256xf32> to vector<256x1xf32>
    %eq3A_205 = vector.broadcast %broadcast_in_dim3A_204 : vector<256x1xf32> to vector<256x4096xf32>
    %eq3A_206 = arith.cmpf oeq, %get3A_201, %eq3A_205 : vector<256x4096xf32>
    %jit3A_207 = arith.constant 4.096000e+03 : f32
    %broadcast_in_dim3A_208 = vector.broadcast %jit3A_207 : f32 to vector<256x4096xf32>
    %select_n3A_209 = arith.select %eq3A_206, %convert_element_type3A_61, %broadcast_in_dim3A_208 : vector<256x4096xi1>, vector<256x4096xf32>
    %reduce_min3A_210 = arith.constant dense<0x7F800000> : vector<256xf32>
    %reduce_min3A_211 = vector.multi_reduction <minimumf>, %select_n3A_209, %reduce_min3A_210 [1] : vector<256x4096xf32> to vector<256xf32>
    %broadcast_in_dim3A_212 = vector.shape_cast %reduce_min3A_211 : vector<256xf32> to vector<256x1xf32>
    %convert_element_type3A_213 = arith.fptosi %broadcast_in_dim3A_212 : vector<256x1xf32> to vector<256x1xi32>
    %add3A_214 = vector.broadcast %mul3A_63 : i32 to vector<256x1xi32>
    %add3A_215 = arith.addi %convert_element_type3A_213, %add3A_214 : vector<256x1xi32>
    %swap3A_216 = arith.constant 0 : index
    %swap3A_217 = arith.constant 5 : index
    %swap3A_218 = vector.load %arg8[%swap3A_216, %swap3A_217] : memref<256x24xi32, #tpu.memory_space<vmem>>, vector<256x1xi32>
    tpu.vector_store %arg8[%swap3A_216, %swap3A_217], %add3A_215 {strides = array<i32>} : memref<256x24xi32, #tpu.memory_space<vmem>>, vector<256x1xi32>,
    %eq3A_219 = vector.broadcast %broadcast_in_dim3A_212 : vector<256x1xf32> to vector<256x4096xf32>
    %eq3A_220 = arith.cmpf oeq, %convert_element_type3A_61, %eq3A_219 : vector<256x4096xf32>
    %jit3A_221 = arith.constant 3.000000e+38 : f32
    %broadcast_in_dim3A_222 = vector.broadcast %jit3A_221 : f32 to vector<256x4096xf32>
    %select_n3A_223 = arith.select %eq3A_220, %broadcast_in_dim3A_222, %get3A_201 : vector<256x4096xi1>, vector<256x4096xf32>
    %swap3A_224 = arith.constant 0 : index
    %swap3A_225 = arith.constant 0 : index
    %swap3A_226 = vector.load %arg9[%swap3A_224, %swap3A_225] : memref<256x4096xf32, #tpu.memory_space<vmem>>, vector<256x4096xf32>
    tpu.vector_store %arg9[%swap3A_224, %swap3A_225], %select_n3A_223 {strides = array<i32>} : memref<256x4096xf32, #tpu.memory_space<vmem>>, vector<256x4096xf32>,
    %get3A_227 = arith.constant 0 : index
    %get3A_228 = arith.constant 0 : index
    %get3A_229 = vector.load %arg9[%get3A_227, %get3A_228] : memref<256x4096xf32, #tpu.memory_space<vmem>>, vector<256x4096xf32>
    %reduce_min3A_230 = arith.constant dense<0x7F800000> : vector<256xf32>
    %reduce_min3A_231 = vector.multi_reduction <minimumf>, %get3A_229, %reduce_min3A_230 [1] : vector<256x4096xf32> to vector<256xf32>
    %broadcast_in_dim3A_232 = vector.shape_cast %reduce_min3A_231 : vector<256xf32> to vector<256x1xf32>
    %eq3A_233 = vector.broadcast %broadcast_in_dim3A_232 : vector<256x1xf32> to vector<256x4096xf32>
    %eq3A_234 = arith.cmpf oeq, %get3A_229, %eq3A_233 : vector<256x4096xf32>
    %jit3A_235 = arith.constant 4.096000e+03 : f32
    %broadcast_in_dim3A_236 = vector.broadcast %jit3A_235 : f32 to vector<256x4096xf32>
    %select_n3A_237 = arith.select %eq3A_234, %convert_element_type3A_61, %broadcast_in_dim3A_236 : vector<256x4096xi1>, vector<256x4096xf32>
    %reduce_min3A_238 = arith.constant dense<0x7F800000> : vector<256xf32>
    %reduce_min3A_239 = vector.multi_reduction <minimumf>, %select_n3A_237, %reduce_min3A_238 [1] : vector<256x4096xf32> to vector<256xf32>
    %broadcast_in_dim3A_240 = vector.shape_cast %reduce_min3A_239 : vector<256xf32> to vector<256x1xf32>
    %convert_element_type3A_241 = arith.fptosi %broadcast_in_dim3A_240 : vector<256x1xf32> to vector<256x1xi32>
    %add3A_242 = vector.broadcast %mul3A_63 : i32 to vector<256x1xi32>
    %add3A_243 = arith.addi %convert_element_type3A_241, %add3A_242 : vector<256x1xi32>
    %swap3A_244 = arith.constant 0 : index
    %swap3A_245 = arith.constant 6 : index
    %swap3A_246 = vector.load %arg8[%swap3A_244, %swap3A_245] : memref<256x24xi32, #tpu.memory_space<vmem>>, vector<256x1xi32>
    tpu.vector_store %arg8[%swap3A_244, %swap3A_245], %add3A_243 {strides = array<i32>} : memref<256x24xi32, #tpu.memory_space<vmem>>, vector<256x1xi32>,
    %eq3A_247 = vector.broadcast %broadcast_in_dim3A_240 : vector<256x1xf32> to vector<256x4096xf32>
    %eq3A_248 = arith.cmpf oeq, %convert_element_type3A_61, %eq3A_247 : vector<256x4096xf32>
    %jit3A_249 = arith.constant 3.000000e+38 : f32
    %broadcast_in_dim3A_250 = vector.broadcast %jit3A_249 : f32 to vector<256x4096xf32>
    %select_n3A_251 = arith.select %eq3A_248, %broadcast_in_dim3A_250, %get3A_229 : vector<256x4096xi1>, vector<256x4096xf32>
    %swap3A_252 = arith.constant 0 : index
    %swap3A_253 = arith.constant 0 : index
    %swap3A_254 = vector.load %arg9[%swap3A_252, %swap3A_253] : memref<256x4096xf32, #tpu.memory_space<vmem>>, vector<256x4096xf32>
    tpu.vector_store %arg9[%swap3A_252, %swap3A_253], %select_n3A_251 {strides = array<i32>} : memref<256x4096xf32, #tpu.memory_space<vmem>>, vector<256x4096xf32>,
    %get3A_255 = arith.constant 0 : index
    %get3A_256 = arith.constant 0 : index
    %get3A_257 = vector.load %arg9[%get3A_255, %get3A_256] : memref<256x4096xf32, #tpu.memory_space<vmem>>, vector<256x4096xf32>
    %reduce_min3A_258 = arith.constant dense<0x7F800000> : vector<256xf32>
    %reduce_min3A_259 = vector.multi_reduction <minimumf>, %get3A_257, %reduce_min3A_258 [1] : vector<256x4096xf32> to vector<256xf32>
    %broadcast_in_dim3A_260 = vector.shape_cast %reduce_min3A_259 : vector<256xf32> to vector<256x1xf32>
    %eq3A_261 = vector.broadcast %broadcast_in_dim3A_260 : vector<256x1xf32> to vector<256x4096xf32>
    %eq3A_262 = arith.cmpf oeq, %get3A_257, %eq3A_261 : vector<256x4096xf32>
    %jit3A_263 = arith.constant 4.096000e+03 : f32
    %broadcast_in_dim3A_264 = vector.broadcast %jit3A_263 : f32 to vector<256x4096xf32>
    %select_n3A_265 = arith.select %eq3A_262, %convert_element_type3A_61, %broadcast_in_dim3A_264 : vector<256x4096xi1>, vector<256x4096xf32>
    %reduce_min3A_266 = arith.constant dense<0x7F800000> : vector<256xf32>
    %reduce_min3A_267 = vector.multi_reduction <minimumf>, %select_n3A_265, %reduce_min3A_266 [1] : vector<256x4096xf32> to vector<256xf32>
    %broadcast_in_dim3A_268 = vector.shape_cast %reduce_min3A_267 : vector<256xf32> to vector<256x1xf32>
    %convert_element_type3A_269 = arith.fptosi %broadcast_in_dim3A_268 : vector<256x1xf32> to vector<256x1xi32>
    %add3A_270 = vector.broadcast %mul3A_63 : i32 to vector<256x1xi32>
    %add3A_271 = arith.addi %convert_element_type3A_269, %add3A_270 : vector<256x1xi32>
    %swap3A_272 = arith.constant 0 : index
    %swap3A_273 = arith.constant 7 : index
    %swap3A_274 = vector.load %arg8[%swap3A_272, %swap3A_273] : memref<256x24xi32, #tpu.memory_space<vmem>>, vector<256x1xi32>
    tpu.vector_store %arg8[%swap3A_272, %swap3A_273], %add3A_271 {strides = array<i32>} : memref<256x24xi32, #tpu.memory_space<vmem>>, vector<256x1xi32>,
    %eq3A_275 = vector.broadcast %broadcast_in_dim3A_268 : vector<256x1xf32> to vector<256x4096xf32>
    %eq3A_276 = arith.cmpf oeq, %convert_element_type3A_61, %eq3A_275 : vector<256x4096xf32>
    %jit3A_277 = arith.constant 3.000000e+38 : f32
    %broadcast_in_dim3A_278 = vector.broadcast %jit3A_277 : f32 to vector<256x4096xf32>
    %select_n3A_279 = arith.select %eq3A_276, %broadcast_in_dim3A_278, %get3A_257 : vector<256x4096xi1>, vector<256x4096xf32>
    %swap3A_280 = arith.constant 0 : index
    %swap3A_281 = arith.constant 0 : index
    %swap3A_282 = vector.load %arg9[%swap3A_280, %swap3A_281] : memref<256x4096xf32, #tpu.memory_space<vmem>>, vector<256x4096xf32>
    tpu.vector_store %arg9[%swap3A_280, %swap3A_281], %select_n3A_279 {strides = array<i32>} : memref<256x4096xf32, #tpu.memory_space<vmem>>, vector<256x4096xf32>,
    %get3A_283 = arith.constant 0 : index
    %get3A_284 = arith.constant 0 : index
    %get3A_285 = vector.load %arg9[%get3A_283, %get3A_284] : memref<256x4096xf32, #tpu.memory_space<vmem>>, vector<256x4096xf32>
    %reduce_min3A_286 = arith.constant dense<0x7F800000> : vector<256xf32>
    %reduce_min3A_287 = vector.multi_reduction <minimumf>, %get3A_285, %reduce_min3A_286 [1] : vector<256x4096xf32> to vector<256xf32>
    %broadcast_in_dim3A_288 = vector.shape_cast %reduce_min3A_287 : vector<256xf32> to vector<256x1xf32>
    %eq3A_289 = vector.broadcast %broadcast_in_dim3A_288 : vector<256x1xf32> to vector<256x4096xf32>
    %eq3A_290 = arith.cmpf oeq, %get3A_285, %eq3A_289 : vector<256x4096xf32>
    %jit3A_291 = arith.constant 4.096000e+03 : f32
    %broadcast_in_dim3A_292 = vector.broadcast %jit3A_291 : f32 to vector<256x4096xf32>
    %select_n3A_293 = arith.select %eq3A_290, %convert_element_type3A_61, %broadcast_in_dim3A_292 : vector<256x4096xi1>, vector<256x4096xf32>
    %reduce_min3A_294 = arith.constant dense<0x7F800000> : vector<256xf32>
    %reduce_min3A_295 = vector.multi_reduction <minimumf>, %select_n3A_293, %reduce_min3A_294 [1] : vector<256x4096xf32> to vector<256xf32>
    %broadcast_in_dim3A_296 = vector.shape_cast %reduce_min3A_295 : vector<256xf32> to vector<256x1xf32>
    %convert_element_type3A_297 = arith.fptosi %broadcast_in_dim3A_296 : vector<256x1xf32> to vector<256x1xi32>
    %add3A_298 = vector.broadcast %mul3A_63 : i32 to vector<256x1xi32>
    %add3A_299 = arith.addi %convert_element_type3A_297, %add3A_298 : vector<256x1xi32>
    %swap3A_300 = arith.constant 0 : index
    %swap3A_301 = arith.constant 8 : index
    %swap3A_302 = vector.load %arg8[%swap3A_300, %swap3A_301] : memref<256x24xi32, #tpu.memory_space<vmem>>, vector<256x1xi32>
    tpu.vector_store %arg8[%swap3A_300, %swap3A_301], %add3A_299 {strides = array<i32>} : memref<256x24xi32, #tpu.memory_space<vmem>>, vector<256x1xi32>,
    %eq3A_303 = vector.broadcast %broadcast_in_dim3A_296 : vector<256x1xf32> to vector<256x4096xf32>
    %eq3A_304 = arith.cmpf oeq, %convert_element_type3A_61, %eq3A_303 : vector<256x4096xf32>
    %jit3A_305 = arith.constant 3.000000e+38 : f32
    %broadcast_in_dim3A_306 = vector.broadcast %jit3A_305 : f32 to vector<256x4096xf32>
    %select_n3A_307 = arith.select %eq3A_304, %broadcast_in_dim3A_306, %get3A_285 : vector<256x4096xi1>, vector<256x4096xf32>
    %swap3A_308 = arith.constant 0 : index
    %swap3A_309 = arith.constant 0 : index
    %swap3A_310 = vector.load %arg9[%swap3A_308, %swap3A_309] : memref<256x4096xf32, #tpu.memory_space<vmem>>, vector<256x4096xf32>
    tpu.vector_store %arg9[%swap3A_308, %swap3A_309], %select_n3A_307 {strides = array<i32>} : memref<256x4096xf32, #tpu.memory_space<vmem>>, vector<256x4096xf32>,
    %get3A_311 = arith.constant 0 : index
    %get3A_312 = arith.constant 0 : index
    %get3A_313 = vector.load %arg9[%get3A_311, %get3A_312] : memref<256x4096xf32, #tpu.memory_space<vmem>>, vector<256x4096xf32>
    %reduce_min3A_314 = arith.constant dense<0x7F800000> : vector<256xf32>
    %reduce_min3A_315 = vector.multi_reduction <minimumf>, %get3A_313, %reduce_min3A_314 [1] : vector<256x4096xf32> to vector<256xf32>
    %broadcast_in_dim3A_316 = vector.shape_cast %reduce_min3A_315 : vector<256xf32> to vector<256x1xf32>
    %eq3A_317 = vector.broadcast %broadcast_in_dim3A_316 : vector<256x1xf32> to vector<256x4096xf32>
    %eq3A_318 = arith.cmpf oeq, %get3A_313, %eq3A_317 : vector<256x4096xf32>
    %jit3A_319 = arith.constant 4.096000e+03 : f32
    %broadcast_in_dim3A_320 = vector.broadcast %jit3A_319 : f32 to vector<256x4096xf32>
    %select_n3A_321 = arith.select %eq3A_318, %convert_element_type3A_61, %broadcast_in_dim3A_320 : vector<256x4096xi1>, vector<256x4096xf32>
    %reduce_min3A_322 = arith.constant dense<0x7F800000> : vector<256xf32>
    %reduce_min3A_323 = vector.multi_reduction <minimumf>, %select_n3A_321, %reduce_min3A_322 [1] : vector<256x4096xf32> to vector<256xf32>
    %broadcast_in_dim3A_324 = vector.shape_cast %reduce_min3A_323 : vector<256xf32> to vector<256x1xf32>
    %convert_element_type3A_325 = arith.fptosi %broadcast_in_dim3A_324 : vector<256x1xf32> to vector<256x1xi32>
    %add3A_326 = vector.broadcast %mul3A_63 : i32 to vector<256x1xi32>
    %add3A_327 = arith.addi %convert_element_type3A_325, %add3A_326 : vector<256x1xi32>
    %swap3A_328 = arith.constant 0 : index
    %swap3A_329 = arith.constant 9 : index
    %swap3A_330 = vector.load %arg8[%swap3A_328, %swap3A_329] : memref<256x24xi32, #tpu.memory_space<vmem>>, vector<256x1xi32>
    tpu.vector_store %arg8[%swap3A_328, %swap3A_329], %add3A_327 {strides = array<i32>} : memref<256x24xi32, #tpu.memory_space<vmem>>, vector<256x1xi32>,
    %eq3A_331 = vector.broadcast %broadcast_in_dim3A_324 : vector<256x1xf32> to vector<256x4096xf32>
    %eq3A_332 = arith.cmpf oeq, %convert_element_type3A_61, %eq3A_331 : vector<256x4096xf32>
    %jit3A_333 = arith.constant 3.000000e+38 : f32
    %broadcast_in_dim3A_334 = vector.broadcast %jit3A_333 : f32 to vector<256x4096xf32>
    %select_n3A_335 = arith.select %eq3A_332, %broadcast_in_dim3A_334, %get3A_313 : vector<256x4096xi1>, vector<256x4096xf32>
    %swap3A_336 = arith.constant 0 : index
    %swap3A_337 = arith.constant 0 : index
    %swap3A_338 = vector.load %arg9[%swap3A_336, %swap3A_337] : memref<256x4096xf32, #tpu.memory_space<vmem>>, vector<256x4096xf32>
    tpu.vector_store %arg9[%swap3A_336, %swap3A_337], %select_n3A_335 {strides = array<i32>} : memref<256x4096xf32, #tpu.memory_space<vmem>>, vector<256x4096xf32>,
    %get3A_339 = arith.constant 0 : index
    %get3A_340 = arith.constant 0 : index
    %get3A_341 = vector.load %arg9[%get3A_339, %get3A_340] : memref<256x4096xf32, #tpu.memory_space<vmem>>, vector<256x4096xf32>
    %reduce_min3A_342 = arith.constant dense<0x7F800000> : vector<256xf32>
    %reduce_min3A_343 = vector.multi_reduction <minimumf>, %get3A_341, %reduce_min3A_342 [1] : vector<256x4096xf32> to vector<256xf32>
    %broadcast_in_dim3A_344 = vector.shape_cast %reduce_min3A_343 : vector<256xf32> to vector<256x1xf32>
    %eq3A_345 = vector.broadcast %broadcast_in_dim3A_344 : vector<256x1xf32> to vector<256x4096xf32>
    %eq3A_346 = arith.cmpf oeq, %get3A_341, %eq3A_345 : vector<256x4096xf32>
    %jit3A_347 = arith.constant 4.096000e+03 : f32
    %broadcast_in_dim3A_348 = vector.broadcast %jit3A_347 : f32 to vector<256x4096xf32>
    %select_n3A_349 = arith.select %eq3A_346, %convert_element_type3A_61, %broadcast_in_dim3A_348 : vector<256x4096xi1>, vector<256x4096xf32>
    %reduce_min3A_350 = arith.constant dense<0x7F800000> : vector<256xf32>
    %reduce_min3A_351 = vector.multi_reduction <minimumf>, %select_n3A_349, %reduce_min3A_350 [1] : vector<256x4096xf32> to vector<256xf32>
    %broadcast_in_dim3A_352 = vector.shape_cast %reduce_min3A_351 : vector<256xf32> to vector<256x1xf32>
    %convert_element_type3A_353 = arith.fptosi %broadcast_in_dim3A_352 : vector<256x1xf32> to vector<256x1xi32>
    %add3A_354 = vector.broadcast %mul3A_63 : i32 to vector<256x1xi32>
    %add3A_355 = arith.addi %convert_element_type3A_353, %add3A_354 : vector<256x1xi32>
    %swap3A_356 = arith.constant 0 : index
    %swap3A_357 = arith.constant 10 : index
    %swap3A_358 = vector.load %arg8[%swap3A_356, %swap3A_357] : memref<256x24xi32, #tpu.memory_space<vmem>>, vector<256x1xi32>
    tpu.vector_store %arg8[%swap3A_356, %swap3A_357], %add3A_355 {strides = array<i32>} : memref<256x24xi32, #tpu.memory_space<vmem>>, vector<256x1xi32>,
    %eq3A_359 = vector.broadcast %broadcast_in_dim3A_352 : vector<256x1xf32> to vector<256x4096xf32>
    %eq3A_360 = arith.cmpf oeq, %convert_element_type3A_61, %eq3A_359 : vector<256x4096xf32>
    %jit3A_361 = arith.constant 3.000000e+38 : f32
    %broadcast_in_dim3A_362 = vector.broadcast %jit3A_361 : f32 to vector<256x4096xf32>
    %select_n3A_363 = arith.select %eq3A_360, %broadcast_in_dim3A_362, %get3A_341 : vector<256x4096xi1>, vector<256x4096xf32>
    %swap3A_364 = arith.constant 0 : index
    %swap3A_365 = arith.constant 0 : index
    %swap3A_366 = vector.load %arg9[%swap3A_364, %swap3A_365] : memref<256x4096xf32, #tpu.memory_space<vmem>>, vector<256x4096xf32>
    tpu.vector_store %arg9[%swap3A_364, %swap3A_365], %select_n3A_363 {strides = array<i32>} : memref<256x4096xf32, #tpu.memory_space<vmem>>, vector<256x4096xf32>,
    %get3A_367 = arith.constant 0 : index
    %get3A_368 = arith.constant 0 : index
    %get3A_369 = vector.load %arg9[%get3A_367, %get3A_368] : memref<256x4096xf32, #tpu.memory_space<vmem>>, vector<256x4096xf32>
    %reduce_min3A_370 = arith.constant dense<0x7F800000> : vector<256xf32>
    %reduce_min3A_371 = vector.multi_reduction <minimumf>, %get3A_369, %reduce_min3A_370 [1] : vector<256x4096xf32> to vector<256xf32>
    %broadcast_in_dim3A_372 = vector.shape_cast %reduce_min3A_371 : vector<256xf32> to vector<256x1xf32>
    %eq3A_373 = vector.broadcast %broadcast_in_dim3A_372 : vector<256x1xf32> to vector<256x4096xf32>
    %eq3A_374 = arith.cmpf oeq, %get3A_369, %eq3A_373 : vector<256x4096xf32>
    %jit3A_375 = arith.constant 4.096000e+03 : f32
    %broadcast_in_dim3A_376 = vector.broadcast %jit3A_375 : f32 to vector<256x4096xf32>
    %select_n3A_377 = arith.select %eq3A_374, %convert_element_type3A_61, %broadcast_in_dim3A_376 : vector<256x4096xi1>, vector<256x4096xf32>
    %reduce_min3A_378 = arith.constant dense<0x7F800000> : vector<256xf32>
    %reduce_min3A_379 = vector.multi_reduction <minimumf>, %select_n3A_377, %reduce_min3A_378 [1] : vector<256x4096xf32> to vector<256xf32>
    %broadcast_in_dim3A_380 = vector.shape_cast %reduce_min3A_379 : vector<256xf32> to vector<256x1xf32>
    %convert_element_type3A_381 = arith.fptosi %broadcast_in_dim3A_380 : vector<256x1xf32> to vector<256x1xi32>
    %add3A_382 = vector.broadcast %mul3A_63 : i32 to vector<256x1xi32>
    %add3A_383 = arith.addi %convert_element_type3A_381, %add3A_382 : vector<256x1xi32>
    %swap3A_384 = arith.constant 0 : index
    %swap3A_385 = arith.constant 11 : index
    %swap3A_386 = vector.load %arg8[%swap3A_384, %swap3A_385] : memref<256x24xi32, #tpu.memory_space<vmem>>, vector<256x1xi32>
    tpu.vector_store %arg8[%swap3A_384, %swap3A_385], %add3A_383 {strides = array<i32>} : memref<256x24xi32, #tpu.memory_space<vmem>>, vector<256x1xi32>,
    %eq3A_387 = vector.broadcast %broadcast_in_dim3A_380 : vector<256x1xf32> to vector<256x4096xf32>
    %eq3A_388 = arith.cmpf oeq, %convert_element_type3A_61, %eq3A_387 : vector<256x4096xf32>
    %jit3A_389 = arith.constant 3.000000e+38 : f32
    %broadcast_in_dim3A_390 = vector.broadcast %jit3A_389 : f32 to vector<256x4096xf32>
    %select_n3A_391 = arith.select %eq3A_388, %broadcast_in_dim3A_390, %get3A_369 : vector<256x4096xi1>, vector<256x4096xf32>
    %swap3A_392 = arith.constant 0 : index
    %swap3A_393 = arith.constant 0 : index
    %swap3A_394 = vector.load %arg9[%swap3A_392, %swap3A_393] : memref<256x4096xf32, #tpu.memory_space<vmem>>, vector<256x4096xf32>
    tpu.vector_store %arg9[%swap3A_392, %swap3A_393], %select_n3A_391 {strides = array<i32>} : memref<256x4096xf32, #tpu.memory_space<vmem>>, vector<256x4096xf32>,
    %get3A_395 = arith.constant 0 : index
    %get3A_396 = arith.constant 0 : index
    %get3A_397 = vector.load %arg9[%get3A_395, %get3A_396] : memref<256x4096xf32, #tpu.memory_space<vmem>>, vector<256x4096xf32>
    %reduce_min3A_398 = arith.constant dense<0x7F800000> : vector<256xf32>
    %reduce_min3A_399 = vector.multi_reduction <minimumf>, %get3A_397, %reduce_min3A_398 [1] : vector<256x4096xf32> to vector<256xf32>
    %broadcast_in_dim3A_400 = vector.shape_cast %reduce_min3A_399 : vector<256xf32> to vector<256x1xf32>
    %eq3A_401 = vector.broadcast %broadcast_in_dim3A_400 : vector<256x1xf32> to vector<256x4096xf32>
    %eq3A_402 = arith.cmpf oeq, %get3A_397, %eq3A_401 : vector<256x4096xf32>
    %jit3A_403 = arith.constant 4.096000e+03 : f32
    %broadcast_in_dim3A_404 = vector.broadcast %jit3A_403 : f32 to vector<256x4096xf32>
    %select_n3A_405 = arith.select %eq3A_402, %convert_element_type3A_61, %broadcast_in_dim3A_404 : vector<256x4096xi1>, vector<256x4096xf32>
    %reduce_min3A_406 = arith.constant dense<0x7F800000> : vector<256xf32>
    %reduce_min3A_407 = vector.multi_reduction <minimumf>, %select_n3A_405, %reduce_min3A_406 [1] : vector<256x4096xf32> to vector<256xf32>
    %broadcast_in_dim3A_408 = vector.shape_cast %reduce_min3A_407 : vector<256xf32> to vector<256x1xf32>
    %convert_element_type3A_409 = arith.fptosi %broadcast_in_dim3A_408 : vector<256x1xf32> to vector<256x1xi32>
    %add3A_410 = vector.broadcast %mul3A_63 : i32 to vector<256x1xi32>
    %add3A_411 = arith.addi %convert_element_type3A_409, %add3A_410 : vector<256x1xi32>
    %swap3A_412 = arith.constant 0 : index
    %swap3A_413 = arith.constant 12 : index
    %swap3A_414 = vector.load %arg8[%swap3A_412, %swap3A_413] : memref<256x24xi32, #tpu.memory_space<vmem>>, vector<256x1xi32>
    tpu.vector_store %arg8[%swap3A_412, %swap3A_413], %add3A_411 {strides = array<i32>} : memref<256x24xi32, #tpu.memory_space<vmem>>, vector<256x1xi32>,
    %eq3A_415 = vector.broadcast %broadcast_in_dim3A_408 : vector<256x1xf32> to vector<256x4096xf32>
    %eq3A_416 = arith.cmpf oeq, %convert_element_type3A_61, %eq3A_415 : vector<256x4096xf32>
    %jit3A_417 = arith.constant 3.000000e+38 : f32
    %broadcast_in_dim3A_418 = vector.broadcast %jit3A_417 : f32 to vector<256x4096xf32>
    %select_n3A_419 = arith.select %eq3A_416, %broadcast_in_dim3A_418, %get3A_397 : vector<256x4096xi1>, vector<256x4096xf32>
    %swap3A_420 = arith.constant 0 : index
    %swap3A_421 = arith.constant 0 : index
    %swap3A_422 = vector.load %arg9[%swap3A_420, %swap3A_421] : memref<256x4096xf32, #tpu.memory_space<vmem>>, vector<256x4096xf32>
    tpu.vector_store %arg9[%swap3A_420, %swap3A_421], %select_n3A_419 {strides = array<i32>} : memref<256x4096xf32, #tpu.memory_space<vmem>>, vector<256x4096xf32>,
    %get3A_423 = arith.constant 0 : index
    %get3A_424 = arith.constant 0 : index
    %get3A_425 = vector.load %arg9[%get3A_423, %get3A_424] : memref<256x4096xf32, #tpu.memory_space<vmem>>, vector<256x4096xf32>
    %reduce_min3A_426 = arith.constant dense<0x7F800000> : vector<256xf32>
    %reduce_min3A_427 = vector.multi_reduction <minimumf>, %get3A_425, %reduce_min3A_426 [1] : vector<256x4096xf32> to vector<256xf32>
    %broadcast_in_dim3A_428 = vector.shape_cast %reduce_min3A_427 : vector<256xf32> to vector<256x1xf32>
    %eq3A_429 = vector.broadcast %broadcast_in_dim3A_428 : vector<256x1xf32> to vector<256x4096xf32>
    %eq3A_430 = arith.cmpf oeq, %get3A_425, %eq3A_429 : vector<256x4096xf32>
    %jit3A_431 = arith.constant 4.096000e+03 : f32
    %broadcast_in_dim3A_432 = vector.broadcast %jit3A_431 : f32 to vector<256x4096xf32>
    %select_n3A_433 = arith.select %eq3A_430, %convert_element_type3A_61, %broadcast_in_dim3A_432 : vector<256x4096xi1>, vector<256x4096xf32>
    %reduce_min3A_434 = arith.constant dense<0x7F800000> : vector<256xf32>
    %reduce_min3A_435 = vector.multi_reduction <minimumf>, %select_n3A_433, %reduce_min3A_434 [1] : vector<256x4096xf32> to vector<256xf32>
    %broadcast_in_dim3A_436 = vector.shape_cast %reduce_min3A_435 : vector<256xf32> to vector<256x1xf32>
    %convert_element_type3A_437 = arith.fptosi %broadcast_in_dim3A_436 : vector<256x1xf32> to vector<256x1xi32>
    %add3A_438 = vector.broadcast %mul3A_63 : i32 to vector<256x1xi32>
    %add3A_439 = arith.addi %convert_element_type3A_437, %add3A_438 : vector<256x1xi32>
    %swap3A_440 = arith.constant 0 : index
    %swap3A_441 = arith.constant 13 : index
    %swap3A_442 = vector.load %arg8[%swap3A_440, %swap3A_441] : memref<256x24xi32, #tpu.memory_space<vmem>>, vector<256x1xi32>
    tpu.vector_store %arg8[%swap3A_440, %swap3A_441], %add3A_439 {strides = array<i32>} : memref<256x24xi32, #tpu.memory_space<vmem>>, vector<256x1xi32>,
    %eq3A_443 = vector.broadcast %broadcast_in_dim3A_436 : vector<256x1xf32> to vector<256x4096xf32>
    %eq3A_444 = arith.cmpf oeq, %convert_element_type3A_61, %eq3A_443 : vector<256x4096xf32>
    %jit3A_445 = arith.constant 3.000000e+38 : f32
    %broadcast_in_dim3A_446 = vector.broadcast %jit3A_445 : f32 to vector<256x4096xf32>
    %select_n3A_447 = arith.select %eq3A_444, %broadcast_in_dim3A_446, %get3A_425 : vector<256x4096xi1>, vector<256x4096xf32>
    %swap3A_448 = arith.constant 0 : index
    %swap3A_449 = arith.constant 0 : index
    %swap3A_450 = vector.load %arg9[%swap3A_448, %swap3A_449] : memref<256x4096xf32, #tpu.memory_space<vmem>>, vector<256x4096xf32>
    tpu.vector_store %arg9[%swap3A_448, %swap3A_449], %select_n3A_447 {strides = array<i32>} : memref<256x4096xf32, #tpu.memory_space<vmem>>, vector<256x4096xf32>,
    %get3A_451 = arith.constant 0 : index
    %get3A_452 = arith.constant 0 : index
    %get3A_453 = vector.load %arg9[%get3A_451, %get3A_452] : memref<256x4096xf32, #tpu.memory_space<vmem>>, vector<256x4096xf32>
    %reduce_min3A_454 = arith.constant dense<0x7F800000> : vector<256xf32>
    %reduce_min3A_455 = vector.multi_reduction <minimumf>, %get3A_453, %reduce_min3A_454 [1] : vector<256x4096xf32> to vector<256xf32>
    %broadcast_in_dim3A_456 = vector.shape_cast %reduce_min3A_455 : vector<256xf32> to vector<256x1xf32>
    %eq3A_457 = vector.broadcast %broadcast_in_dim3A_456 : vector<256x1xf32> to vector<256x4096xf32>
    %eq3A_458 = arith.cmpf oeq, %get3A_453, %eq3A_457 : vector<256x4096xf32>
    %jit3A_459 = arith.constant 4.096000e+03 : f32
    %broadcast_in_dim3A_460 = vector.broadcast %jit3A_459 : f32 to vector<256x4096xf32>
    %select_n3A_461 = arith.select %eq3A_458, %convert_element_type3A_61, %broadcast_in_dim3A_460 : vector<256x4096xi1>, vector<256x4096xf32>
    %reduce_min3A_462 = arith.constant dense<0x7F800000> : vector<256xf32>
    %reduce_min3A_463 = vector.multi_reduction <minimumf>, %select_n3A_461, %reduce_min3A_462 [1] : vector<256x4096xf32> to vector<256xf32>
    %broadcast_in_dim3A_464 = vector.shape_cast %reduce_min3A_463 : vector<256xf32> to vector<256x1xf32>
    %convert_element_type3A_465 = arith.fptosi %broadcast_in_dim3A_464 : vector<256x1xf32> to vector<256x1xi32>
    %add3A_466 = vector.broadcast %mul3A_63 : i32 to vector<256x1xi32>
    %add3A_467 = arith.addi %convert_element_type3A_465, %add3A_466 : vector<256x1xi32>
    %swap3A_468 = arith.constant 0 : index
    %swap3A_469 = arith.constant 14 : index
    %swap3A_470 = vector.load %arg8[%swap3A_468, %swap3A_469] : memref<256x24xi32, #tpu.memory_space<vmem>>, vector<256x1xi32>
    tpu.vector_store %arg8[%swap3A_468, %swap3A_469], %add3A_467 {strides = array<i32>} : memref<256x24xi32, #tpu.memory_space<vmem>>, vector<256x1xi32>,
    %eq3A_471 = vector.broadcast %broadcast_in_dim3A_464 : vector<256x1xf32> to vector<256x4096xf32>
    %eq3A_472 = arith.cmpf oeq, %convert_element_type3A_61, %eq3A_471 : vector<256x4096xf32>
    %jit3A_473 = arith.constant 3.000000e+38 : f32
    %broadcast_in_dim3A_474 = vector.broadcast %jit3A_473 : f32 to vector<256x4096xf32>
    %select_n3A_475 = arith.select %eq3A_472, %broadcast_in_dim3A_474, %get3A_453 : vector<256x4096xi1>, vector<256x4096xf32>
    %swap3A_476 = arith.constant 0 : index
    %swap3A_477 = arith.constant 0 : index
    %swap3A_478 = vector.load %arg9[%swap3A_476, %swap3A_477] : memref<256x4096xf32, #tpu.memory_space<vmem>>, vector<256x4096xf32>
    tpu.vector_store %arg9[%swap3A_476, %swap3A_477], %select_n3A_475 {strides = array<i32>} : memref<256x4096xf32, #tpu.memory_space<vmem>>, vector<256x4096xf32>,
    %get3A_479 = arith.constant 0 : index
    %get3A_480 = arith.constant 0 : index
    %get3A_481 = vector.load %arg9[%get3A_479, %get3A_480] : memref<256x4096xf32, #tpu.memory_space<vmem>>, vector<256x4096xf32>
    %reduce_min3A_482 = arith.constant dense<0x7F800000> : vector<256xf32>
    %reduce_min3A_483 = vector.multi_reduction <minimumf>, %get3A_481, %reduce_min3A_482 [1] : vector<256x4096xf32> to vector<256xf32>
    %broadcast_in_dim3A_484 = vector.shape_cast %reduce_min3A_483 : vector<256xf32> to vector<256x1xf32>
    %eq3A_485 = vector.broadcast %broadcast_in_dim3A_484 : vector<256x1xf32> to vector<256x4096xf32>
    %eq3A_486 = arith.cmpf oeq, %get3A_481, %eq3A_485 : vector<256x4096xf32>
    %jit3A_487 = arith.constant 4.096000e+03 : f32
    %broadcast_in_dim3A_488 = vector.broadcast %jit3A_487 : f32 to vector<256x4096xf32>
    %select_n3A_489 = arith.select %eq3A_486, %convert_element_type3A_61, %broadcast_in_dim3A_488 : vector<256x4096xi1>, vector<256x4096xf32>
    %reduce_min3A_490 = arith.constant dense<0x7F800000> : vector<256xf32>
    %reduce_min3A_491 = vector.multi_reduction <minimumf>, %select_n3A_489, %reduce_min3A_490 [1] : vector<256x4096xf32> to vector<256xf32>
    %broadcast_in_dim3A_492 = vector.shape_cast %reduce_min3A_491 : vector<256xf32> to vector<256x1xf32>
    %convert_element_type3A_493 = arith.fptosi %broadcast_in_dim3A_492 : vector<256x1xf32> to vector<256x1xi32>
    %add3A_494 = vector.broadcast %mul3A_63 : i32 to vector<256x1xi32>
    %add3A_495 = arith.addi %convert_element_type3A_493, %add3A_494 : vector<256x1xi32>
    %swap3A_496 = arith.constant 0 : index
    %swap3A_497 = arith.constant 15 : index
    %swap3A_498 = vector.load %arg8[%swap3A_496, %swap3A_497] : memref<256x24xi32, #tpu.memory_space<vmem>>, vector<256x1xi32>
    tpu.vector_store %arg8[%swap3A_496, %swap3A_497], %add3A_495 {strides = array<i32>} : memref<256x24xi32, #tpu.memory_space<vmem>>, vector<256x1xi32>,
    %eq3A_499 = vector.broadcast %broadcast_in_dim3A_492 : vector<256x1xf32> to vector<256x4096xf32>
    %eq3A_500 = arith.cmpf oeq, %convert_element_type3A_61, %eq3A_499 : vector<256x4096xf32>
    %jit3A_501 = arith.constant 3.000000e+38 : f32
    %broadcast_in_dim3A_502 = vector.broadcast %jit3A_501 : f32 to vector<256x4096xf32>
    %select_n3A_503 = arith.select %eq3A_500, %broadcast_in_dim3A_502, %get3A_481 : vector<256x4096xi1>, vector<256x4096xf32>
    %swap3A_504 = arith.constant 0 : index
    %swap3A_505 = arith.constant 0 : index
    %swap3A_506 = vector.load %arg9[%swap3A_504, %swap3A_505] : memref<256x4096xf32, #tpu.memory_space<vmem>>, vector<256x4096xf32>
    tpu.vector_store %arg9[%swap3A_504, %swap3A_505], %select_n3A_503 {strides = array<i32>} : memref<256x4096xf32, #tpu.memory_space<vmem>>, vector<256x4096xf32>,
    %get3A_507 = arith.constant 0 : index
    %get3A_508 = arith.constant 0 : index
    %get3A_509 = vector.load %arg9[%get3A_507, %get3A_508] : memref<256x4096xf32, #tpu.memory_space<vmem>>, vector<256x4096xf32>
    %reduce_min3A_510 = arith.constant dense<0x7F800000> : vector<256xf32>
    %reduce_min3A_511 = vector.multi_reduction <minimumf>, %get3A_509, %reduce_min3A_510 [1] : vector<256x4096xf32> to vector<256xf32>
    %broadcast_in_dim3A_512 = vector.shape_cast %reduce_min3A_511 : vector<256xf32> to vector<256x1xf32>
    %eq3A_513 = vector.broadcast %broadcast_in_dim3A_512 : vector<256x1xf32> to vector<256x4096xf32>
    %eq3A_514 = arith.cmpf oeq, %get3A_509, %eq3A_513 : vector<256x4096xf32>
    %jit3A_515 = arith.constant 4.096000e+03 : f32
    %broadcast_in_dim3A_516 = vector.broadcast %jit3A_515 : f32 to vector<256x4096xf32>
    %select_n3A_517 = arith.select %eq3A_514, %convert_element_type3A_61, %broadcast_in_dim3A_516 : vector<256x4096xi1>, vector<256x4096xf32>
    %reduce_min3A_518 = arith.constant dense<0x7F800000> : vector<256xf32>
    %reduce_min3A_519 = vector.multi_reduction <minimumf>, %select_n3A_517, %reduce_min3A_518 [1] : vector<256x4096xf32> to vector<256xf32>
    %broadcast_in_dim3A_520 = vector.shape_cast %reduce_min3A_519 : vector<256xf32> to vector<256x1xf32>
    %convert_element_type3A_521 = arith.fptosi %broadcast_in_dim3A_520 : vector<256x1xf32> to vector<256x1xi32>
    %add3A_522 = vector.broadcast %mul3A_63 : i32 to vector<256x1xi32>
    %add3A_523 = arith.addi %convert_element_type3A_521, %add3A_522 : vector<256x1xi32>
    %swap3A_524 = arith.constant 0 : index
    %swap3A_525 = arith.constant 16 : index
    %swap3A_526 = vector.load %arg8[%swap3A_524, %swap3A_525] : memref<256x24xi32, #tpu.memory_space<vmem>>, vector<256x1xi32>
    tpu.vector_store %arg8[%swap3A_524, %swap3A_525], %add3A_523 {strides = array<i32>} : memref<256x24xi32, #tpu.memory_space<vmem>>, vector<256x1xi32>,
    %eq3A_527 = vector.broadcast %broadcast_in_dim3A_520 : vector<256x1xf32> to vector<256x4096xf32>
    %eq3A_528 = arith.cmpf oeq, %convert_element_type3A_61, %eq3A_527 : vector<256x4096xf32>
    %jit3A_529 = arith.constant 3.000000e+38 : f32
    %broadcast_in_dim3A_530 = vector.broadcast %jit3A_529 : f32 to vector<256x4096xf32>
    %select_n3A_531 = arith.select %eq3A_528, %broadcast_in_dim3A_530, %get3A_509 : vector<256x4096xi1>, vector<256x4096xf32>
    %swap3A_532 = arith.constant 0 : index
    %swap3A_533 = arith.constant 0 : index
    %swap3A_534 = vector.load %arg9[%swap3A_532, %swap3A_533] : memref<256x4096xf32, #tpu.memory_space<vmem>>, vector<256x4096xf32>
    tpu.vector_store %arg9[%swap3A_532, %swap3A_533], %select_n3A_531 {strides = array<i32>} : memref<256x4096xf32, #tpu.memory_space<vmem>>, vector<256x4096xf32>,
    %get3A_535 = arith.constant 0 : index
    %get3A_536 = arith.constant 0 : index
    %get3A_537 = vector.load %arg9[%get3A_535, %get3A_536] : memref<256x4096xf32, #tpu.memory_space<vmem>>, vector<256x4096xf32>
    %reduce_min3A_538 = arith.constant dense<0x7F800000> : vector<256xf32>
    %reduce_min3A_539 = vector.multi_reduction <minimumf>, %get3A_537, %reduce_min3A_538 [1] : vector<256x4096xf32> to vector<256xf32>
    %broadcast_in_dim3A_540 = vector.shape_cast %reduce_min3A_539 : vector<256xf32> to vector<256x1xf32>
    %eq3A_541 = vector.broadcast %broadcast_in_dim3A_540 : vector<256x1xf32> to vector<256x4096xf32>
    %eq3A_542 = arith.cmpf oeq, %get3A_537, %eq3A_541 : vector<256x4096xf32>
    %jit3A_543 = arith.constant 4.096000e+03 : f32
    %broadcast_in_dim3A_544 = vector.broadcast %jit3A_543 : f32 to vector<256x4096xf32>
    %select_n3A_545 = arith.select %eq3A_542, %convert_element_type3A_61, %broadcast_in_dim3A_544 : vector<256x4096xi1>, vector<256x4096xf32>
    %reduce_min3A_546 = arith.constant dense<0x7F800000> : vector<256xf32>
    %reduce_min3A_547 = vector.multi_reduction <minimumf>, %select_n3A_545, %reduce_min3A_546 [1] : vector<256x4096xf32> to vector<256xf32>
    %broadcast_in_dim3A_548 = vector.shape_cast %reduce_min3A_547 : vector<256xf32> to vector<256x1xf32>
    %convert_element_type3A_549 = arith.fptosi %broadcast_in_dim3A_548 : vector<256x1xf32> to vector<256x1xi32>
    %add3A_550 = vector.broadcast %mul3A_63 : i32 to vector<256x1xi32>
    %add3A_551 = arith.addi %convert_element_type3A_549, %add3A_550 : vector<256x1xi32>
    %swap3A_552 = arith.constant 0 : index
    %swap3A_553 = arith.constant 17 : index
    %swap3A_554 = vector.load %arg8[%swap3A_552, %swap3A_553] : memref<256x24xi32, #tpu.memory_space<vmem>>, vector<256x1xi32>
    tpu.vector_store %arg8[%swap3A_552, %swap3A_553], %add3A_551 {strides = array<i32>} : memref<256x24xi32, #tpu.memory_space<vmem>>, vector<256x1xi32>,
    %eq3A_555 = vector.broadcast %broadcast_in_dim3A_548 : vector<256x1xf32> to vector<256x4096xf32>
    %eq3A_556 = arith.cmpf oeq, %convert_element_type3A_61, %eq3A_555 : vector<256x4096xf32>
    %jit3A_557 = arith.constant 3.000000e+38 : f32
    %broadcast_in_dim3A_558 = vector.broadcast %jit3A_557 : f32 to vector<256x4096xf32>
    %select_n3A_559 = arith.select %eq3A_556, %broadcast_in_dim3A_558, %get3A_537 : vector<256x4096xi1>, vector<256x4096xf32>
    %swap3A_560 = arith.constant 0 : index
    %swap3A_561 = arith.constant 0 : index
    %swap3A_562 = vector.load %arg9[%swap3A_560, %swap3A_561] : memref<256x4096xf32, #tpu.memory_space<vmem>>, vector<256x4096xf32>
    tpu.vector_store %arg9[%swap3A_560, %swap3A_561], %select_n3A_559 {strides = array<i32>} : memref<256x4096xf32, #tpu.memory_space<vmem>>, vector<256x4096xf32>,
    %get3A_563 = arith.constant 0 : index
    %get3A_564 = arith.constant 0 : index
    %get3A_565 = vector.load %arg9[%get3A_563, %get3A_564] : memref<256x4096xf32, #tpu.memory_space<vmem>>, vector<256x4096xf32>
    %reduce_min3A_566 = arith.constant dense<0x7F800000> : vector<256xf32>
    %reduce_min3A_567 = vector.multi_reduction <minimumf>, %get3A_565, %reduce_min3A_566 [1] : vector<256x4096xf32> to vector<256xf32>
    %broadcast_in_dim3A_568 = vector.shape_cast %reduce_min3A_567 : vector<256xf32> to vector<256x1xf32>
    %eq3A_569 = vector.broadcast %broadcast_in_dim3A_568 : vector<256x1xf32> to vector<256x4096xf32>
    %eq3A_570 = arith.cmpf oeq, %get3A_565, %eq3A_569 : vector<256x4096xf32>
    %jit3A_571 = arith.constant 4.096000e+03 : f32
    %broadcast_in_dim3A_572 = vector.broadcast %jit3A_571 : f32 to vector<256x4096xf32>
    %select_n3A_573 = arith.select %eq3A_570, %convert_element_type3A_61, %broadcast_in_dim3A_572 : vector<256x4096xi1>, vector<256x4096xf32>
    %reduce_min3A_574 = arith.constant dense<0x7F800000> : vector<256xf32>
    %reduce_min3A_575 = vector.multi_reduction <minimumf>, %select_n3A_573, %reduce_min3A_574 [1] : vector<256x4096xf32> to vector<256xf32>
    %broadcast_in_dim3A_576 = vector.shape_cast %reduce_min3A_575 : vector<256xf32> to vector<256x1xf32>
    %convert_element_type3A_577 = arith.fptosi %broadcast_in_dim3A_576 : vector<256x1xf32> to vector<256x1xi32>
    %add3A_578 = vector.broadcast %mul3A_63 : i32 to vector<256x1xi32>
    %add3A_579 = arith.addi %convert_element_type3A_577, %add3A_578 : vector<256x1xi32>
    %swap3A_580 = arith.constant 0 : index
    %swap3A_581 = arith.constant 18 : index
    %swap3A_582 = vector.load %arg8[%swap3A_580, %swap3A_581] : memref<256x24xi32, #tpu.memory_space<vmem>>, vector<256x1xi32>
    tpu.vector_store %arg8[%swap3A_580, %swap3A_581], %add3A_579 {strides = array<i32>} : memref<256x24xi32, #tpu.memory_space<vmem>>, vector<256x1xi32>,
    %eq3A_583 = vector.broadcast %broadcast_in_dim3A_576 : vector<256x1xf32> to vector<256x4096xf32>
    %eq3A_584 = arith.cmpf oeq, %convert_element_type3A_61, %eq3A_583 : vector<256x4096xf32>
    %jit3A_585 = arith.constant 3.000000e+38 : f32
    %broadcast_in_dim3A_586 = vector.broadcast %jit3A_585 : f32 to vector<256x4096xf32>
    %select_n3A_587 = arith.select %eq3A_584, %broadcast_in_dim3A_586, %get3A_565 : vector<256x4096xi1>, vector<256x4096xf32>
    %swap3A_588 = arith.constant 0 : index
    %swap3A_589 = arith.constant 0 : index
    %swap3A_590 = vector.load %arg9[%swap3A_588, %swap3A_589] : memref<256x4096xf32, #tpu.memory_space<vmem>>, vector<256x4096xf32>
    tpu.vector_store %arg9[%swap3A_588, %swap3A_589], %select_n3A_587 {strides = array<i32>} : memref<256x4096xf32, #tpu.memory_space<vmem>>, vector<256x4096xf32>,
    %get3A_591 = arith.constant 0 : index
    %get3A_592 = arith.constant 0 : index
    %get3A_593 = vector.load %arg9[%get3A_591, %get3A_592] : memref<256x4096xf32, #tpu.memory_space<vmem>>, vector<256x4096xf32>
    %reduce_min3A_594 = arith.constant dense<0x7F800000> : vector<256xf32>
    %reduce_min3A_595 = vector.multi_reduction <minimumf>, %get3A_593, %reduce_min3A_594 [1] : vector<256x4096xf32> to vector<256xf32>
    %broadcast_in_dim3A_596 = vector.shape_cast %reduce_min3A_595 : vector<256xf32> to vector<256x1xf32>
    %eq3A_597 = vector.broadcast %broadcast_in_dim3A_596 : vector<256x1xf32> to vector<256x4096xf32>
    %eq3A_598 = arith.cmpf oeq, %get3A_593, %eq3A_597 : vector<256x4096xf32>
    %jit3A_599 = arith.constant 4.096000e+03 : f32
    %broadcast_in_dim3A_600 = vector.broadcast %jit3A_599 : f32 to vector<256x4096xf32>
    %select_n3A_601 = arith.select %eq3A_598, %convert_element_type3A_61, %broadcast_in_dim3A_600 : vector<256x4096xi1>, vector<256x4096xf32>
    %reduce_min3A_602 = arith.constant dense<0x7F800000> : vector<256xf32>
    %reduce_min3A_603 = vector.multi_reduction <minimumf>, %select_n3A_601, %reduce_min3A_602 [1] : vector<256x4096xf32> to vector<256xf32>
    %broadcast_in_dim3A_604 = vector.shape_cast %reduce_min3A_603 : vector<256xf32> to vector<256x1xf32>
    %convert_element_type3A_605 = arith.fptosi %broadcast_in_dim3A_604 : vector<256x1xf32> to vector<256x1xi32>
    %add3A_606 = vector.broadcast %mul3A_63 : i32 to vector<256x1xi32>
    %add3A_607 = arith.addi %convert_element_type3A_605, %add3A_606 : vector<256x1xi32>
    %swap3A_608 = arith.constant 0 : index
    %swap3A_609 = arith.constant 19 : index
    %swap3A_610 = vector.load %arg8[%swap3A_608, %swap3A_609] : memref<256x24xi32, #tpu.memory_space<vmem>>, vector<256x1xi32>
    tpu.vector_store %arg8[%swap3A_608, %swap3A_609], %add3A_607 {strides = array<i32>} : memref<256x24xi32, #tpu.memory_space<vmem>>, vector<256x1xi32>,
    %eq3A_611 = vector.broadcast %broadcast_in_dim3A_604 : vector<256x1xf32> to vector<256x4096xf32>
    %eq3A_612 = arith.cmpf oeq, %convert_element_type3A_61, %eq3A_611 : vector<256x4096xf32>
    %jit3A_613 = arith.constant 3.000000e+38 : f32
    %broadcast_in_dim3A_614 = vector.broadcast %jit3A_613 : f32 to vector<256x4096xf32>
    %select_n3A_615 = arith.select %eq3A_612, %broadcast_in_dim3A_614, %get3A_593 : vector<256x4096xi1>, vector<256x4096xf32>
    %swap3A_616 = arith.constant 0 : index
    %swap3A_617 = arith.constant 0 : index
    %swap3A_618 = vector.load %arg9[%swap3A_616, %swap3A_617] : memref<256x4096xf32, #tpu.memory_space<vmem>>, vector<256x4096xf32>
    tpu.vector_store %arg9[%swap3A_616, %swap3A_617], %select_n3A_615 {strides = array<i32>} : memref<256x4096xf32, #tpu.memory_space<vmem>>, vector<256x4096xf32>,
    %get3A_619 = arith.constant 0 : index
    %get3A_620 = arith.constant 0 : index
    %get3A_621 = vector.load %arg9[%get3A_619, %get3A_620] : memref<256x4096xf32, #tpu.memory_space<vmem>>, vector<256x4096xf32>
    %reduce_min3A_622 = arith.constant dense<0x7F800000> : vector<256xf32>
    %reduce_min3A_623 = vector.multi_reduction <minimumf>, %get3A_621, %reduce_min3A_622 [1] : vector<256x4096xf32> to vector<256xf32>
    %broadcast_in_dim3A_624 = vector.shape_cast %reduce_min3A_623 : vector<256xf32> to vector<256x1xf32>
    %eq3A_625 = vector.broadcast %broadcast_in_dim3A_624 : vector<256x1xf32> to vector<256x4096xf32>
    %eq3A_626 = arith.cmpf oeq, %get3A_621, %eq3A_625 : vector<256x4096xf32>
    %jit3A_627 = arith.constant 4.096000e+03 : f32
    %broadcast_in_dim3A_628 = vector.broadcast %jit3A_627 : f32 to vector<256x4096xf32>
    %select_n3A_629 = arith.select %eq3A_626, %convert_element_type3A_61, %broadcast_in_dim3A_628 : vector<256x4096xi1>, vector<256x4096xf32>
    %reduce_min3A_630 = arith.constant dense<0x7F800000> : vector<256xf32>
    %reduce_min3A_631 = vector.multi_reduction <minimumf>, %select_n3A_629, %reduce_min3A_630 [1] : vector<256x4096xf32> to vector<256xf32>
    %broadcast_in_dim3A_632 = vector.shape_cast %reduce_min3A_631 : vector<256xf32> to vector<256x1xf32>
    %convert_element_type3A_633 = arith.fptosi %broadcast_in_dim3A_632 : vector<256x1xf32> to vector<256x1xi32>
    %add3A_634 = vector.broadcast %mul3A_63 : i32 to vector<256x1xi32>
    %add3A_635 = arith.addi %convert_element_type3A_633, %add3A_634 : vector<256x1xi32>
    %swap3A_636 = arith.constant 0 : index
    %swap3A_637 = arith.constant 20 : index
    %swap3A_638 = vector.load %arg8[%swap3A_636, %swap3A_637] : memref<256x24xi32, #tpu.memory_space<vmem>>, vector<256x1xi32>
    tpu.vector_store %arg8[%swap3A_636, %swap3A_637], %add3A_635 {strides = array<i32>} : memref<256x24xi32, #tpu.memory_space<vmem>>, vector<256x1xi32>,
    %eq3A_639 = vector.broadcast %broadcast_in_dim3A_632 : vector<256x1xf32> to vector<256x4096xf32>
    %eq3A_640 = arith.cmpf oeq, %convert_element_type3A_61, %eq3A_639 : vector<256x4096xf32>
    %jit3A_641 = arith.constant 3.000000e+38 : f32
    %broadcast_in_dim3A_642 = vector.broadcast %jit3A_641 : f32 to vector<256x4096xf32>
    %select_n3A_643 = arith.select %eq3A_640, %broadcast_in_dim3A_642, %get3A_621 : vector<256x4096xi1>, vector<256x4096xf32>
    %swap3A_644 = arith.constant 0 : index
    %swap3A_645 = arith.constant 0 : index
    %swap3A_646 = vector.load %arg9[%swap3A_644, %swap3A_645] : memref<256x4096xf32, #tpu.memory_space<vmem>>, vector<256x4096xf32>
    tpu.vector_store %arg9[%swap3A_644, %swap3A_645], %select_n3A_643 {strides = array<i32>} : memref<256x4096xf32, #tpu.memory_space<vmem>>, vector<256x4096xf32>,
    %get3A_647 = arith.constant 0 : index
    %get3A_648 = arith.constant 0 : index
    %get3A_649 = vector.load %arg9[%get3A_647, %get3A_648] : memref<256x4096xf32, #tpu.memory_space<vmem>>, vector<256x4096xf32>
    %reduce_min3A_650 = arith.constant dense<0x7F800000> : vector<256xf32>
    %reduce_min3A_651 = vector.multi_reduction <minimumf>, %get3A_649, %reduce_min3A_650 [1] : vector<256x4096xf32> to vector<256xf32>
    %broadcast_in_dim3A_652 = vector.shape_cast %reduce_min3A_651 : vector<256xf32> to vector<256x1xf32>
    %eq3A_653 = vector.broadcast %broadcast_in_dim3A_652 : vector<256x1xf32> to vector<256x4096xf32>
    %eq3A_654 = arith.cmpf oeq, %get3A_649, %eq3A_653 : vector<256x4096xf32>
    %jit3A_655 = arith.constant 4.096000e+03 : f32
    %broadcast_in_dim3A_656 = vector.broadcast %jit3A_655 : f32 to vector<256x4096xf32>
    %select_n3A_657 = arith.select %eq3A_654, %convert_element_type3A_61, %broadcast_in_dim3A_656 : vector<256x4096xi1>, vector<256x4096xf32>
    %reduce_min3A_658 = arith.constant dense<0x7F800000> : vector<256xf32>
    %reduce_min3A_659 = vector.multi_reduction <minimumf>, %select_n3A_657, %reduce_min3A_658 [1] : vector<256x4096xf32> to vector<256xf32>
    %broadcast_in_dim3A_660 = vector.shape_cast %reduce_min3A_659 : vector<256xf32> to vector<256x1xf32>
    %convert_element_type3A_661 = arith.fptosi %broadcast_in_dim3A_660 : vector<256x1xf32> to vector<256x1xi32>
    %add3A_662 = vector.broadcast %mul3A_63 : i32 to vector<256x1xi32>
    %add3A_663 = arith.addi %convert_element_type3A_661, %add3A_662 : vector<256x1xi32>
    %swap3A_664 = arith.constant 0 : index
    %swap3A_665 = arith.constant 21 : index
    %swap3A_666 = vector.load %arg8[%swap3A_664, %swap3A_665] : memref<256x24xi32, #tpu.memory_space<vmem>>, vector<256x1xi32>
    tpu.vector_store %arg8[%swap3A_664, %swap3A_665], %add3A_663 {strides = array<i32>} : memref<256x24xi32, #tpu.memory_space<vmem>>, vector<256x1xi32>,
    %eq3A_667 = vector.broadcast %broadcast_in_dim3A_660 : vector<256x1xf32> to vector<256x4096xf32>
    %eq3A_668 = arith.cmpf oeq, %convert_element_type3A_61, %eq3A_667 : vector<256x4096xf32>
    %jit3A_669 = arith.constant 3.000000e+38 : f32
    %broadcast_in_dim3A_670 = vector.broadcast %jit3A_669 : f32 to vector<256x4096xf32>
    %select_n3A_671 = arith.select %eq3A_668, %broadcast_in_dim3A_670, %get3A_649 : vector<256x4096xi1>, vector<256x4096xf32>
    %swap3A_672 = arith.constant 0 : index
    %swap3A_673 = arith.constant 0 : index
    %swap3A_674 = vector.load %arg9[%swap3A_672, %swap3A_673] : memref<256x4096xf32, #tpu.memory_space<vmem>>, vector<256x4096xf32>
    tpu.vector_store %arg9[%swap3A_672, %swap3A_673], %select_n3A_671 {strides = array<i32>} : memref<256x4096xf32, #tpu.memory_space<vmem>>, vector<256x4096xf32>,
    %get3A_675 = arith.constant 0 : index
    %get3A_676 = arith.constant 0 : index
    %get3A_677 = vector.load %arg9[%get3A_675, %get3A_676] : memref<256x4096xf32, #tpu.memory_space<vmem>>, vector<256x4096xf32>
    %reduce_min3A_678 = arith.constant dense<0x7F800000> : vector<256xf32>
    %reduce_min3A_679 = vector.multi_reduction <minimumf>, %get3A_677, %reduce_min3A_678 [1] : vector<256x4096xf32> to vector<256xf32>
    %broadcast_in_dim3A_680 = vector.shape_cast %reduce_min3A_679 : vector<256xf32> to vector<256x1xf32>
    %eq3A_681 = vector.broadcast %broadcast_in_dim3A_680 : vector<256x1xf32> to vector<256x4096xf32>
    %eq3A_682 = arith.cmpf oeq, %get3A_677, %eq3A_681 : vector<256x4096xf32>
    %jit3A_683 = arith.constant 4.096000e+03 : f32
    %broadcast_in_dim3A_684 = vector.broadcast %jit3A_683 : f32 to vector<256x4096xf32>
    %select_n3A_685 = arith.select %eq3A_682, %convert_element_type3A_61, %broadcast_in_dim3A_684 : vector<256x4096xi1>, vector<256x4096xf32>
    %reduce_min3A_686 = arith.constant dense<0x7F800000> : vector<256xf32>
    %reduce_min3A_687 = vector.multi_reduction <minimumf>, %select_n3A_685, %reduce_min3A_686 [1] : vector<256x4096xf32> to vector<256xf32>
    %broadcast_in_dim3A_688 = vector.shape_cast %reduce_min3A_687 : vector<256xf32> to vector<256x1xf32>
    %convert_element_type3A_689 = arith.fptosi %broadcast_in_dim3A_688 : vector<256x1xf32> to vector<256x1xi32>
    %add3A_690 = vector.broadcast %mul3A_63 : i32 to vector<256x1xi32>
    %add3A_691 = arith.addi %convert_element_type3A_689, %add3A_690 : vector<256x1xi32>
    %swap3A_692 = arith.constant 0 : index
    %swap3A_693 = arith.constant 22 : index
    %swap3A_694 = vector.load %arg8[%swap3A_692, %swap3A_693] : memref<256x24xi32, #tpu.memory_space<vmem>>, vector<256x1xi32>
    tpu.vector_store %arg8[%swap3A_692, %swap3A_693], %add3A_691 {strides = array<i32>} : memref<256x24xi32, #tpu.memory_space<vmem>>, vector<256x1xi32>,
    %eq3A_695 = vector.broadcast %broadcast_in_dim3A_688 : vector<256x1xf32> to vector<256x4096xf32>
    %eq3A_696 = arith.cmpf oeq, %convert_element_type3A_61, %eq3A_695 : vector<256x4096xf32>
    %jit3A_697 = arith.constant 3.000000e+38 : f32
    %broadcast_in_dim3A_698 = vector.broadcast %jit3A_697 : f32 to vector<256x4096xf32>
    %select_n3A_699 = arith.select %eq3A_696, %broadcast_in_dim3A_698, %get3A_677 : vector<256x4096xi1>, vector<256x4096xf32>
    %swap3A_700 = arith.constant 0 : index
    %swap3A_701 = arith.constant 0 : index
    %swap3A_702 = vector.load %arg9[%swap3A_700, %swap3A_701] : memref<256x4096xf32, #tpu.memory_space<vmem>>, vector<256x4096xf32>
    tpu.vector_store %arg9[%swap3A_700, %swap3A_701], %select_n3A_699 {strides = array<i32>} : memref<256x4096xf32, #tpu.memory_space<vmem>>, vector<256x4096xf32>,
    %get3A_703 = arith.constant 0 : index
    %get3A_704 = arith.constant 0 : index
    %get3A_705 = vector.load %arg9[%get3A_703, %get3A_704] : memref<256x4096xf32, #tpu.memory_space<vmem>>, vector<256x4096xf32>
    %reduce_min3A_706 = arith.constant dense<0x7F800000> : vector<256xf32>
    %reduce_min3A_707 = vector.multi_reduction <minimumf>, %get3A_705, %reduce_min3A_706 [1] : vector<256x4096xf32> to vector<256xf32>
    %broadcast_in_dim3A_708 = vector.shape_cast %reduce_min3A_707 : vector<256xf32> to vector<256x1xf32>
    %eq3A_709 = vector.broadcast %broadcast_in_dim3A_708 : vector<256x1xf32> to vector<256x4096xf32>
    %eq3A_710 = arith.cmpf oeq, %get3A_705, %eq3A_709 : vector<256x4096xf32>
    %jit3A_711 = arith.constant 4.096000e+03 : f32
    %broadcast_in_dim3A_712 = vector.broadcast %jit3A_711 : f32 to vector<256x4096xf32>
    %select_n3A_713 = arith.select %eq3A_710, %convert_element_type3A_61, %broadcast_in_dim3A_712 : vector<256x4096xi1>, vector<256x4096xf32>
    %reduce_min3A_714 = arith.constant dense<0x7F800000> : vector<256xf32>
    %reduce_min3A_715 = vector.multi_reduction <minimumf>, %select_n3A_713, %reduce_min3A_714 [1] : vector<256x4096xf32> to vector<256xf32>
    %broadcast_in_dim3A_716 = vector.shape_cast %reduce_min3A_715 : vector<256xf32> to vector<256x1xf32>
    %convert_element_type3A_717 = arith.fptosi %broadcast_in_dim3A_716 : vector<256x1xf32> to vector<256x1xi32>
    %add3A_718 = vector.broadcast %mul3A_63 : i32 to vector<256x1xi32>
    %add3A_719 = arith.addi %convert_element_type3A_717, %add3A_718 : vector<256x1xi32>
    %swap3A_720 = arith.constant 0 : index
    %swap3A_721 = arith.constant 23 : index
    %swap3A_722 = vector.load %arg8[%swap3A_720, %swap3A_721] : memref<256x24xi32, #tpu.memory_space<vmem>>, vector<256x1xi32>
    tpu.vector_store %arg8[%swap3A_720, %swap3A_721], %add3A_719 {strides = array<i32>} : memref<256x24xi32, #tpu.memory_space<vmem>>, vector<256x1xi32>,
    %eq3A_723 = vector.broadcast %broadcast_in_dim3A_716 : vector<256x1xf32> to vector<256x4096xf32>
    %eq3A_724 = arith.cmpf oeq, %convert_element_type3A_61, %eq3A_723 : vector<256x4096xf32>
    %jit3A_725 = arith.constant 3.000000e+38 : f32
    %broadcast_in_dim3A_726 = vector.broadcast %jit3A_725 : f32 to vector<256x4096xf32>
    %select_n3A_727 = arith.select %eq3A_724, %broadcast_in_dim3A_726, %get3A_705 : vector<256x4096xi1>, vector<256x4096xf32>
    %swap3A_728 = arith.constant 0 : index
    %swap3A_729 = arith.constant 0 : index
    %swap3A_730 = vector.load %arg9[%swap3A_728, %swap3A_729] : memref<256x4096xf32, #tpu.memory_space<vmem>>, vector<256x4096xf32>
    tpu.vector_store %arg9[%swap3A_728, %swap3A_729], %select_n3A_727 {strides = array<i32>} : memref<256x4096xf32, #tpu.memory_space<vmem>>, vector<256x4096xf32>,
    return
  }
  func.func @transform_0(%arg0: i32, %arg1: i32) -> (i32, i32, i32) {
    %c0_i32 = arith.constant 0 : i32
    %c0_i32_0 = arith.constant 0 : i32
    %c0_i32_1 = arith.constant 0 : i32
    return %arg0, %c0_i32, %c0_i32_0 : i32, i32, i32
  }
  func.func @transform_1(%arg0: i32, %arg1: i32) -> (i32, i32, i32) {
    %c0_i32 = arith.constant 0 : i32
    %c0_i32_0 = arith.constant 0 : i32
    %c0_i32_1 = arith.constant 0 : i32
    return %arg0, %c0_i32, %c0_i32_0 : i32, i32, i32
  }
  func.func @transform_2(%arg0: i32, %arg1: i32) -> (i32, i32, i32) {
    %c0_i32 = arith.constant 0 : i32
    %c0_i32_0 = arith.constant 0 : i32
    %c0_i32_1 = arith.constant 0 : i32
    return %arg0, %c0_i32, %c0_i32_0 : i32, i32, i32
  }
  func.func @transform_3(%arg0: i32, %arg1: i32) -> (i32, i32) {
    %mul3A = arith.constant 4 : i32
    %mul3A_0 = arith.muli %arg0, %mul3A : i32
    %add3A = arith.addi %mul3A_0, %arg1 : i32
    %c0_i32 = arith.constant 0 : i32
    %c0_i32_1 = arith.constant 0 : i32
    return %add3A, %c0_i32 : i32, i32
  }
  func.func @transform_4(%arg0: i32, %arg1: i32) -> (i32, i32) {
    %mul3A = arith.constant 4 : i32
    %mul3A_0 = arith.muli %arg0, %mul3A : i32
    %add3A = arith.addi %mul3A_0, %arg1 : i32
    %c0_i32 = arith.constant 0 : i32
    %c0_i32_1 = arith.constant 0 : i32
    return %add3A, %c0_i32 : i32, i32
  }
  func.func @transform_5(%arg0: i32, %arg1: i32) -> (i32, i32) {
    %mul3A = arith.constant 4 : i32
    %mul3A_0 = arith.muli %arg0, %mul3A : i32
    %add3A = arith.addi %mul3A_0, %arg1 : i32
    %c0_i32 = arith.constant 0 : i32
    %c0_i32_1 = arith.constant 0 : i32
    return %add3A, %c0_i32 : i32, i32
  }
  func.func @transform_6(%arg0: i32, %arg1: i32) -> (i32, i32) {
    %mul3A = arith.constant 4 : i32
    %mul3A_0 = arith.muli %arg0, %mul3A : i32
    %add3A = arith.addi %mul3A_0, %arg1 : i32
    %c0_i32 = arith.constant 0 : i32
    %c0_i32_1 = arith.constant 0 : i32
    return %add3A, %c0_i32 : i32, i32
  }
}

</mosaic_0001>

<sc_bundles>
// kernel: kernel.5.cloned.1.call-start
scs
__scs_entry_jumppad:
0x0: {  	(pc) =	sbr.rel $0x88, $3  }
0x1: {  	(tag) =	ssettag $0x0;
	lr =	simm.s32 $0x1  }
0x2: {  	[smem:$0x3F9F] =	sst lr;
	_ =	strace $0xD0000000  }
0x3: {  	_ = 	snop  }
0x4: {  	_ = 	snop  }
0x5: {  	_ = 	snop  }
0x6: {  	_ = 	snop  }
0x7: {  	_ = 	snop  }
__scs_overlays_trampoline_lowered:
0x8: {  	[smem:$0x3FAE] =	sst s0  }
0x9: {  	[smem:$0x3FAF] =	sst s1  }
0xa: {  	[smem:$0x3FB0] =	sst s2  }
0xb: {  	[smem:$0x3FB1] =	sst s3  }
0xc: {  	[smem:$0x3FB2] =	sst s4  }
0xd: {  	[smem:$0x3FB3] =	sst s5  }
0xe: {  	[smem:$0x3FB4] =	sst s6  }
0xf: {  	[smem:$0x3FB5] =	sst s7  }
0x10: {  	[smem:$0x3FB6] =	sst s8  }
0x11: {  	[smem:$0x3FB7] =	sst s9;
	s0 =	simm.s32 @!p0 $0x0  }
0x12: {  	s1 =	sld [smem:$0x3F9D];
	s0 =	simm.s32 @p0 $0x1  }
0x13: {  	[smem:$0x3FB8] =	sst s0;
	s0 =	simm.s32 @!p1 $0x0  }
0x14: {  	s2 =	sld [smem:$0x3F9C];
	s0 =	simm.s32 @p1 $0x1  }
0x15: {  	[smem:$0x3FB9] =	sst s0;
	s0 =	simm.s32 @!p2 $0x0  }
0x16: {  	s3 =	sld [smem:$0x3FDB];
	s0 =	simm.s32 @p2 $0x1  }
0x17: {  	s4 =	simm.s32 $0x1BF5;
	[smem:$0x3FBB] =	sst s0  }
0x18: {  	s0 =	sld [smem:$0x3F9E];
	_ =	swait.ge [sflag:s4], $0x0  }
0x19: {  	s7 =	sld [smem:$0x3F9F]  }
0x1a: {  	s8 =	sadd.s32 $0xFFFFE003, lr  }
0x1b: {  	s9 =	sadd.s32 $0xFFFFFEF7, lr;
	s5 =	simm.s32 $0xFFFFFFFF;
	p2 =	slt.u32 s8, $0xFFFFF086  }
0x1c: {  	p1 =	slt.u32 s9, $0xF7A;
	s5 =	simm.s32 @!p2 $0x0  }
0x1d: {  	s5 =	simm.s32 @p1 $0x1;
	p0 =	seq.s32 s7, s2  }
0x1e: {  	s7 =	smul.u32 @!p0 $0xF7A, s2;
	p2 =	seq.s32 @!p0 s5, $0x0  }
0x1f: {  	s9 =	smul.u32 $0xF7A, s1;
	s8 =	simm.s32 @!p0 $0x1BF5;
	p2 =	por !p2, p0  }
0x20: {  	[sflag:s8] =	ssyncset.s32 @!p0 $0xFFFFF086;
	s6 =	sadd.s32 @!p0 s3, s7;
	s7 =	simm.s32 @!p0 $0x108  }
0x21: {  	s3 =	sadd.s32 s3, s9;
	s6 =	sadd.s32 @!p0 $0x88, s6;
	s7 =	simm.s32 @p2 $0x1082  }
0x22: {  	[simem:s7], [sflag:s8] =	dma.local @!p0 [hbm:s6], $0xF7A  }
0x23: {  	s9 =	sor.u32 $0xD0000000, s2;
	s6 =	simm.s32 $0x108;
	_ =	swait.ge @!p0 [sflag:s8], $0x0  }
0x24: {  	s3 =	sadd.s32 $0x88, s3;
	s6 =	simm.s32 @!p1 $0x1082;
	[sflag:s4] =	ssyncset.s32 $0xFFFFF086  }
0x25: {  	[simem:s6], [sflag:s4] =	dma.local [hbm:s3], $0xF7A  }
0x26: {  	[smem:$0x3F9F] =	sst s1;
	(tag) =	ssettag s2;
	_ =	strace s9  }
0x27: {  	s1 =	sld [smem:$0x3FAF]  }
0x28: {  	s2 =	sld [smem:$0x3FB0]  }
0x29: {  	s4 =	sld [smem:$0x3FB2]  }
0x2a: {  	p0 =	seq.s32 s5, $0x0;
	s5 =	sld [smem:$0x3FB3]  }
0x2b: {  	s6 =	sld [smem:$0x3FB4]  }
0x2c: {  	s7 =	sld [smem:$0x3FB5]  }
0x2d: {  	s3 =	simm.s32 $0x108;
	s8 =	sld [smem:$0x3FB6]  }
0x2e: {  	s3 =	simm.s32 @!p0 $0x1082;
	s9 =	sld [smem:$0x3FB7]  }
0x2f: {  	lr =	sadd.s32 s0, s3;
	s0 =	sld [smem:$0x3FAE]  }
0x30: {  	s3 =	sld [smem:$0x3FB1]  }
0x31: {  	[smem:$0x3FBA] =	sst s10  }
0x32: {  	s10 =	sld [smem:$0x3FB8];
	_ =	sdelay $0x3  }
0x33: {  	p0 =	seq.s32 s10, $0x1;
	s10 =	sld [smem:$0x3FBA];
	_ =	sdelay $0x3  }
0x34: {  	[smem:$0x3FBA] =	sst s10  }
0x35: {  	s10 =	sld [smem:$0x3FB9];
	_ =	sdelay $0x3  }
0x36: {  	p1 =	seq.s32 s10, $0x1;
	s10 =	sld [smem:$0x3FBA];
	_ =	sdelay $0x3  }
0x37: {  	[smem:$0x3FBA] =	sst s10  }
0x38: {  	s10 =	sld [smem:$0x3FBB]  }
0x39: {  	_ = 	snop;
	(pc) =	sbr.ind lr, $3  }
0x3a: {  	_ = 	snop  }
0x3b: {  	_ = 	snop  }
0x3c: {  	p2 =	seq.s32 s10, $0x1;
	s10 =	sld [smem:$0x3FBA]  }
0x3d: {  	_ =	shalt  }
0x3e: {  	_ =	shalt  }
0x3f: {  	_ =	shalt  }
0x40: {  	_ =	shalt  }
0x41: {  	_ =	shalt  }
0x42: {  	_ =	shalt  }
0x43: {  	_ =	shalt  }
0x44: {  	_ =	shalt  }
0x45: {  	_ =	shalt  }
0x46: {  	_ =	shalt  }
0x47: {  	_ =	shalt  }
0x48: {  	_ =	shalt  }
0x49: {  	_ =	shalt  }
0x4a: {  	_ =	shalt  }
0x4b: {  	_ =	shalt  }
0x4c: {  	_ =	shalt  }
0x4d: {  	_ =	shalt  }
0x4e: {  	_ =	shalt  }
0x4f: {  	_ =	shalt  }
0x50: {  	_ =	shalt  }
0x51: {  	_ =	shalt  }
0x52: {  	_ =	shalt  }
0x53: {  	_ =	shalt  }
0x54: {  	_ =	shalt  }
0x55: {  	_ =	shalt  }
0x56: {  	_ =	shalt  }
0x57: {  	_ =	shalt  }
0x58: {  	_ =	shalt  }
0x59: {  	_ =	shalt  }
0x5a: {  	_ =	shalt  }
0x5b: {  	_ =	shalt  }
0x5c: {  	_ =	shalt  }
0x5d: {  	_ =	shalt  }
0x5e: {  	_ =	shalt  }
0x5f: {  	_ =	shalt  }
0x60: {  	_ =	shalt  }
0x61: {  	_ =	shalt  }
0x62: {  	_ =	shalt  }
0x63: {  	_ =	shalt  }
0x64: {  	_ =	shalt  }
0x65: {  	_ =	shalt  }
0x66: {  	_ =	shalt  }
0x67: {  	_ =	shalt  }
0x68: {  	_ =	shalt  }
0x69: {  	_ =	shalt  }
0x6a: {  	_ =	shalt  }
0x6b: {  	_ =	shalt  }
0x6c: {  	_ =	shalt  }
0x6d: {  	_ =	shalt  }
0x6e: {  	_ =	shalt  }
0x6f: {  	_ =	shalt  }
0x70: {  	_ =	shalt  }
0x71: {  	_ =	shalt  }
0x72: {  	_ =	shalt  }
0x73: {  	_ =	shalt  }
0x74: {  	_ =	shalt  }
0x75: {  	_ =	shalt  }
0x76: {  	_ =	shalt  }
0x77: {  	_ =	shalt  }
0x78: {  	_ =	shalt  }
0x79: {  	_ =	shalt  }
0x7a: {  	_ =	shalt  }
0x7b: {  	_ =	shalt  }
0x7c: {  	_ =	shalt  }
0x7d: {  	_ =	shalt  }
0x7e: {  	_ =	shalt  }
0x7f: {  	_ =	shalt  }
0x80: {  	_ =	shalt  }
0x81: {  	_ =	shalt  }
0x82: {  	_ =	shalt  }
0x83: {  	_ =	shalt  }
0x84: {  	_ =	shalt  }
0x85: {  	_ =	shalt  }
0x86: {  	_ =	shalt  }
0x87: {  	_ =	shalt  }
.Lfunc_end0:
.L_simem_size_0:
called_computation_lowered:
.L_overlay_start_0:
0x88: {  	s2 =	sld [smem:$0x3FD9]  }
0x89: {  	s3 =	sld [smem:$0x3FFE];
	_ =	sdelay $0x1  }
0x8a: {  	s1 =	srdreg.scid  }
0x8b: {  	s0 =	sand.u32 $0x1, s1  }
0x8c: {  	s14 =	sshll.u32 s0, $0xA;
	s2 =	sadd.s32 s3, s2  }
0x8d: {  	s2 =	sadd.s32 s2, s14  }
0x8e: {  	[smem:$0x3FC6] =	sst s2  }
0x8f: {  	_ = 	snop  }
0x90: {  	s2 =	sld [smem:$0x3FD0];
	_ =	sdelay $0x2  }
0x91: {  	s4 =	simm.s32 $0xA;
	s5 =	simm.s32 $0x10;
	s15 =	sld [smem:$0x3FC8]  }
0x92: {  	[smem:s5], [sflag:s4] =	dma.local [hbm:s2], $0x1  }
0x93: {  	_ =	swait.eq [sflag:s4], $0x1  }
0x94: {  	s16 =	sld [smem:$0x11];
	[sflag:s4] =	ssyncset.done $0x0  }
0x95: {  	s17 =	sld [smem:$0x12];
	[sflag:s4] =	ssyncadd.s32 $0xFFFFFFFF  }
0x96: {  	s18 =	sld [smem:$0x13];
	(tm) =	ssettm $0x1  }
0x97: {  	s6 =	sld [smem:$0x3FFB];
	_ =	sdelay $0x3  }
0x98: {  	_ =	strace s6  }
0x99: {  	s6 =	sld [smem:$0x3FFC];
	_ =	sdelay $0x3  }
0x9a: {  	_ =	strace s6  }
0x9b: {  	s6 =	sld [smem:$0x3FFD];
	_ =	sdelay $0x3  }
0x9c: {  	_ =	strace s6  }
0x9d: {  	_ =	strace $0x8FFFFFFF  }
0x9e: {  	s19 =	sld [smem:$0x3FDB];
	_ =	sdelay $0x1  }
0x9f: {  	s7 =	simm.s32 $_scs_section_size  }
0xa0: {  	s8 =	simm.s32 $_size__tile_overlayer_lowered;
	s9 =	simm.s32 $_tile_overlayer_lowered  }
0xa1: {  	s22 =	simm.s32 $0x1BFF;
	s21 =	sshll.u32 s9, $0x1;
	s6 =	sadd.s32 s7, s19  }
0xa2: {  	s10 =	simm.s32 $0x0;
	s20 =	sshll.u32 s8, $0x1;
	s8 =	sadd.s32 s21, s6  }
0xa3: {  	[timem:s10], [sflag:s22] =	dma.local [hbm:s8], s20  }
0xa4: {  	_ =	swait.ge [sflag:s22], s20  }
0xa5: {  	s7 =	ssub.s32 $0x0, s20;
	[sflag:s22] =	ssyncset.done $0x0  }
0xa6: {  	[sflag:s22] =	ssyncadd.s32 s7;
	_ =	sdelay $0x1  }
0xa7: {  	s23 =	simm.s32 $0x1B8B  }
0xa8: {  	_ =	swait.ge [sflag:s23], $0x1  }
0xa9: {  	[sflag:s23] =	ssyncset.done $0x0  }
0xaa: {  	s25 =	simm.s32 $0x1B8E;
	s24 =	sld [smem:$0x3FFE];
	[sflag:s23] =	ssyncadd.s32 $0xFFFFFFFF  }
0xab: {  	s26 =	simm.s32 $execute0_lowered;
	[smem:$0x3FD2] =	sst s25  }
0xac: {  	s8 =	sshll.u32 s26, $0x1;
	_ =	strace $0x80000046;
	[dreg:$0x1] =	wrdreg $0xFFFFFFFF  }
0xad: {  	s28 =	simm.s32 $_size_execute0_lowered;
	s6 =	sadd.s32 s6, s8;
	[dreg:$0x0] =	wrdreg $0x0  }
0xae: {  	s8 =	sshll.u32 s28, $0x1;
	[dreg:$0x2] =	wrdreg s6  }
0xaf: {  	[dreg:$0x3] =	wrdreg s8  }
0xb0: {  	[dreg:$0x4] =	wrdreg $0xC0  }
0xb1: {  	_ =	task [dreg:s10], $0x5FFFF  }
0xb2: {  	[dreg:$0x1] =	wrdreg $0xFFFFFFFF  }
0xb3: {  	[dreg:$0x0] =	wrdreg $0x60  }
0xb4: {  	[dreg:$0x2] =	wrdreg s15  }
0xb5: {  	[dreg:$0x3] =	wrdreg s24  }
0xb6: {  	[dreg:$0x4] =	wrdreg s17  }
0xb7: {  	[dreg:$0x5] =	wrdreg s16  }
0xb8: {  	[dreg:$0x6] =	wrdreg s18  }
0xb9: {  	[dreg:$0x7] =	wrdreg $0x9  }
0xba: {  	_ =	task.clear_ibuf [dreg:s10], $0x8FFFF;
	_ =	strace $0x90000046  }
0xbb: {  	s29 =	simm.s32 $0x9;
	_ =	strace $0x80000048  }
0xbc: {  	_ =	swait.ge [sflag:s29], $0x1  }
0xbd: {  	[sflag:s29] =	ssyncadd.s32 $0xFFFFFFFF  }
0xbe: {  	_ =	strace $0x90000048  }
0xbf: {  	_ =	sfence  }
0xc0: {  	s30 =	sld [smem:$0x0];
	_ =	sdelay $0x2  }
0xc1: {  	s31 =	sshll.u32 s1, $0xD;
	s1 =	sshrl.u32 s1, $0x2  }
0xc2: {  	s3 =	sand.u32 $0x4000, s31;
	s1 =	sadd.s32 s1, s30  }
0xc3: {  	s0 =	sor.u32 s3, s0;
	s1 =	sshll.u32 s1, $0x11  }
0xc4: {  	s0 =	sor.u32 s1, s0  }
0xc5: {  	s0 =	sadd.s32 $0x8F2B, s0  }
0xc6: {  	[sflag:s0] =	ssyncadd.remote.s32 $0x1  }
0xc7: {  	_ =	sfence.sel $0xFFFF  }
0xc8: {  	[dreg:$0x0] =	wrdreg $0xFFFFFFFF;
	(pc) =	sbr.abs _section_cstart, $3  }
0xc9: {  	[dreg:$0x1] =	wrdreg $0xFFFFFFFF  }
0xca: {  	_ =	task.clear_ibuf [dreg:s10], $0x2FFFF;
	_ =	strace $0x9FFFFFFF  }
0xcb: {  	(tm) =	ssettm $0x7FFFFFFF  }
tec
execute0_lowered:
.L_overlay_start_1:
0x0: {  	(tag) =	ssettag $0x1  }
0x1: {  	s1 =	rddreg [dreg:$0x0]  }
0x2: {  	s7 =	rddreg [dreg:$0x1]  }
0x3: {  	s9 =	rddreg [dreg:$0x2]  }
0x4: {  	s8 =	rddreg [dreg:$0x3]  }
0x5: {  	s13 =	rddreg [dreg:$0x4]  }
0x6: {  	s0 =	rddreg [dreg:$0x5];
	s3 =	simm.s32 $0x0;
	s4 =	srdreg.scid  }
0x7: {  	s2 =	stileid.u32;
	s18 =	simm.s32 $0x8100;
	s19 =	simm.s32 $0x1800  }
0x8: {  	s20 =	simm.s32 $0x9900;
	s21 =	simm.s32 $0xB100;
	s22 =	simm.s32 $0xC900  }
0x9: {  	s23 =	simm.s32 $0xE100;
	s24 =	simm.s32 $0x0;
	[smem:$0x7FF] =	sst s3  }
0xa: {  	s11 =	sand.u32 $0x1, s4;
	s29 =	sshll.u32 s2, $0x1;
	s4 =	sadd.s32 $0x3000, s7  }
0xb: {  	s5 =	sadd.s32 $0x2000, s7;
	s6 =	sadd.s32 $0x1000, s7;
	s30 =	smul.u32 $0x30000, s2  }
0xc: {  	_ =	strace $0x80000047;
	s10 =	sor.u32 s11, s29;
	s31 =	smul.u32 $0x18000, s11  }
0xd: {  	s15 =	ssub.s32 $0x2, s11;
	s12 =	smul.u32 $0x1800, s10;
	s14 =	sshll.u32 s10, $0x5  }
0xe: {  	s16 =	sshrl.u32 s15, $0x1;
	s10 =	sshll.u32 s10, $0xC;
	s14 =	sadd.s32 s14, s7  }
0xf: {  	s15 =	ssub.s32 s15, s16;
	s8 =	sadd.s32 s8, s10;
	s12 =	sshrl.u32 s12, $0x3  }
0x10: {  	s16 =	simm.s32 $0x100;
	s17 =	sadd.s32 s12, s7;
	s7 =	sadd.s32 $0x4000, s14  }
0x11: {  	s9 =	sadd.s32 s9, s12;
	s14 =	sadd.s32 s30, s13;
	s13 =	smax.u32 s15, $0x1  }
0x12: {  	s15 =	simm.s32 $0x2;
	s10 =	sadd.s32 $0x4400, s17;
	s11 =	sadd.s32 $0xA400, s17  }
0x13: {  	s12 =	sadd.s32 $0x10400, s17;
	s14 =	sadd.s32 s31, s14;
	s17 =	simm.s32 $0x1  }
.LBB2_1:
0x14: {  	[tilespmem:s3], [sflag:$0x2] =	stream.linear.gather [hbm4b:s7+s3], $0x100, $0x38;
	[tilespmem:$0x16100] =	vst v63  }
0x15: {  	_ =	swait.ge [sflag:s15], $0x100  }
0x16: {  	[sflag:s15] =	ssyncset.done $0x0  }
0x17: {  	[sflag:s15] =	ssyncadd.s32 $0xFFFFFF00  }
0x18: {  	[tilespmem:s16], [sflag:$0x1] =	stream.indirect.gather [hbm4b:s1+s16], $0x80, s3, s16, $0xb8;
	[tilespmem:$0x16100] =	vst v63  }
0x19: {  	_ =	swait.ge [sflag:s17], $0x8000  }
0x1a: {  	[sflag:s17] =	ssyncset.done $0x0  }
0x1b: {  	[sflag:s17] =	ssyncadd.s32 $0xFFFF8000  }
0x1c: {  	[hbm4b:s8+s3] =	stream.linear.scatter [tilespmem:s16], [sflag:$0x2], $0x8000, $0x38;
	[tilespmem:$0x16100] =	vst v63  }
0x1d: {  	_ =	swait.ge [sflag:s15], $0x8000  }
0x1e: {  	[sflag:s15] =	ssyncset.done $0x0  }
0x1f: {  	[sflag:s15] =	ssyncadd.s32 $0xFFFF8000  }
0x20: {  	[tilespmem:s18], [sflag:$0x2] =	stream.linear.gather [hbm4b:s9+s3], $0x1800, $0x38;
	[tilespmem:$0x16100] =	vst v63  }
0x21: {  	_ =	swait.ge [sflag:s15], $0x1800  }
0x22: {  	[sflag:s15] =	ssyncset.done $0x0  }
0x23: {  	[sflag:s15] =	ssyncadd.s32 $0xFFFFE800  }
0x24: {  	[tilespmem:s20], [sflag:$0x1] =	stream.indirect.gather [hbm4b:s4+s19], $0x1, s18, s19, $0xb8;
	[tilespmem:$0x16100] =	vst v63  }
0x25: {  	_ =	swait.ge [sflag:s17], $0x1800  }
0x26: {  	[sflag:s17] =	ssyncset.done $0x0  }
0x27: {  	[sflag:s17] =	ssyncadd.s32 $0xFFFFE800  }
0x28: {  	[tilespmem:s21], [sflag:$0x1] =	stream.indirect.gather [hbm4b:s5+s19], $0x1, s18, s19, $0xb8;
	[tilespmem:$0x16100] =	vst v63  }
0x29: {  	_ =	swait.ge [sflag:s17], $0x1800  }
0x2a: {  	[sflag:s17] =	ssyncset.done $0x0  }
0x2b: {  	[sflag:s17] =	ssyncadd.s32 $0xFFFFE800  }
0x2c: {  	[tilespmem:s22], [sflag:$0x1] =	stream.indirect.gather [hbm4b:s6+s19], $0x1, s18, s19, $0xb8;
	[tilespmem:$0x16100] =	vst v63  }
0x2d: {  	_ =	swait.ge [sflag:s17], $0x1800  }
0x2e: {  	[sflag:s17] =	ssyncset.done $0x0  }
0x2f: {  	[sflag:s17] =	ssyncadd.s32 $0xFFFFE800  }
0x30: {  	[hbm4b:s10+s3] =	stream.linear.scatter [tilespmem:s20], [sflag:$0x2], $0x1800, $0x38;
	[tilespmem:$0x16100] =	vst v63  }
0x31: {  	_ =	swait.ge [sflag:s15], $0x1800  }
0x32: {  	[sflag:s15] =	ssyncset.done $0x0  }
0x33: {  	[sflag:s15] =	ssyncadd.s32 $0xFFFFE800  }
0x34: {  	[hbm4b:s11+s3] =	stream.linear.scatter [tilespmem:s21], [sflag:$0x2], $0x1800, $0x38;
	[tilespmem:$0x16100] =	vst v63  }
0x35: {  	_ =	swait.ge [sflag:s15], $0x1800  }
0x36: {  	[sflag:s15] =	ssyncset.done $0x0  }
0x37: {  	[sflag:s15] =	ssyncadd.s32 $0xFFFFE800  }
0x38: {  	[hbm4b:s12+s3] =	stream.linear.scatter [tilespmem:s22], [sflag:$0x2], $0x1800, $0x38;
	[tilespmem:$0x16100] =	vst v63  }
0x39: {  	_ =	swait.ge [sflag:s15], $0x1800  }
0x3a: {  	[sflag:s15] =	ssyncset.done $0x0  }
0x3b: {  	s25 =	simm.s32 $0x8100;
	[sflag:s15] =	ssyncadd.s32 $0xFFFFE800  }
0x3c: {  	[tilespmem:s23], [sflag:$0x1] =	stream.indirect.gather [hbm4b:s1+s16], $0x80, s25, s16, $0xb8;
	[tilespmem:$0x16100] =	vst v63  }
0x3d: {  	_ =	swait.ge [sflag:s17], $0x8000  }
0x3e: {  	[sflag:s17] =	ssyncset.done $0x0  }
0x3f: {  	[sflag:s17] =	ssyncadd.s32 $0xFFFF8000  }
0x40: {  	[hbm4b:s14+s3] =	stream.linear.scatter [tilespmem:s23], [sflag:$0x2], $0x8000, $0x38;
	[tilespmem:$0x16100] =	vst v63  }
0x41: {  	s26 =	simm.s32 $0x800;
	_ =	swait.ge [sflag:s15], $0x8000  }
0x42: {  	s28 =	simm.s32 $0x100;
	s25 =	sadd.s32 $0x1000, s14;
	[sflag:s15] =	ssyncset.done $0x0  }
.LBB2_2:
0x43: {  	s28 =	sadd.s32 $0x8100, s28  }
0x44: {  	[sflag:s15] =	ssyncadd.s32 $0xFFFF8000;
	s29 =	smov.u32 s26;
	s30 =	sadd.s32 $0x400, s26  }
0x45: {  	[tilespmem:s23], [sflag:$0x1] =	stream.indirect.gather [hbm4b:s1+s16], $0x80, s28, s16, $0xb8;
	[tilespmem:$0x16100] =	vst v63  }
0x46: {  	p0 =	sne.s32 s26, $0x5C00;
	_ =	swait.ge [sflag:s17], $0x8000  }
.Ltmp0:
0x47: {  	[sflag:s17] =	ssyncset.done $0x0;
	(pc) =	sbr.rel @p0 .LBB2_2-.Ltmp0, $4  }
0x48: {  	[sflag:s17] =	ssyncadd.s32 $0xFFFF8000  }
0x49: {  	[hbm4b:s25+s3] =	stream.linear.scatter [tilespmem:s23], [sflag:$0x2], $0x8000, $0x38;
	[tilespmem:$0x16100] =	vst v63  }
0x4a: {  	s28 =	sshra.s32 s29, $0x2;
	_ =	swait.ge [sflag:s15], $0x8000  }
0x4b: {  	s26 =	smov.u32 s30;
	s25 =	sadd.s32 $0x1000, s25;
	[sflag:s15] =	ssyncset.done $0x0  }
0x4c: {  	s26 =	sadd.s32 $0x8100, s28;
	[sflag:s15] =	ssyncadd.s32 $0xFFFF8000  }
0x4d: {  	[tilespmem:s23], [sflag:$0x1] =	stream.indirect.gather [hbm4b:s1+s16], $0x80, s26, s16, $0xb8;
	[tilespmem:$0x16100] =	vst v63  }
0x4e: {  	s24 =	sadd.s32 $0x1, s24;
	_ =	swait.ge [sflag:s17], $0x8000  }
0x4f: {  	p0 =	sne.s32 s24, s13;
	[sflag:s17] =	ssyncset.done $0x0  }
.Ltmp1:
0x50: {  	[sflag:s17] =	ssyncadd.s32 $0xFFFF8000;
	(pc) =	sbr.rel @p0 .LBB2_1-.Ltmp1, $4  }
0x51: {  	[hbm4b:s25+s3] =	stream.linear.scatter [tilespmem:s23], [sflag:$0x2], $0x8000, $0x38;
	[tilespmem:$0x16100] =	vst v63  }
0x52: {  	_ =	swait.ge [sflag:s15], $0x8000  }
0x53: {  	[sflag:s15] =	ssyncset.done $0x0  }
0x54: {  	[sflag:s15] =	ssyncadd.s32 $0xFFFF8000  }
0x55: {  	_ =	sfence.sel $0x180000  }
0x56: {  	[bflag:$0x0] =	sbarrier.arrive $0xFFFF  }
0x57: {  	p0 =	sne.s32 s2, $0x0;
	_ =	strace $0x90000047  }
0x58: {  	s0 =	sadd.s32 @!p0 $0x100000, s0;
	[bflag:$0x2] =	sbarrier.arrive $0xFFFF  }
0x59: {  	[sflag:s0] =	ssyncadd.tile.s32 @!p0 $0x1;
	_ =	shalt  }
.Lfunc_end2:
_tile_overlayer_lowered:
.L_overlay_start_2:
0x5a: {  	(tag) =	ssettag $0x2  }
0x5b: {  	s0 =	rddreg [dreg:$0x0];
	s2 =	stileid.u32  }
0x5c: {  	s1 =	rddreg [dreg:$0x1];
	p0 =	sne.s32 s2, $0x0  }
0x5d: {  	s3 =	rddreg [dreg:$0x2];
	[bflag:$0x3] =	sbarrier.arrive $0xFFFF;
	s2 =	simm.s32 @!p0 $0x1C02  }
0x5e: {  	[timem:s3], [sflag:s2] =	dma.local @!p0 [hbm:s0], s1  }
0x5f: {  	s0 =	simm.s32 @!p0 $0x2  }
0x60: {  	_ =	swait.ge @!p0 [sflag:s0], s1  }
0x61: {  	s1 =	ssub.s32 @!p0 $0x0, s1;
	[sflag:s0] =	ssyncset.done @!p0 $0x0  }
0x62: {  	[sflag:s0] =	ssyncadd.s32 @!p0 s1  }
0x63: {  	[bflag:$0x3] =	sbarrier.arrive $0xFFFF  }
0x64: {  	_ =	shalt  }

</sc_bundles>
